<compile_context>
chip_gen: v7x
topology: tpu7x:2x2x1
jax: 0.10.2.dev20260603
libtpu: 0.0.44.dev20260713+nightly
codegen_flags: <defaults>
</compile_context>

<pallas_src>
import jax
import jax.numpy as jnp
from jax import lax
from jax.experimental import pallas as pl
from jax.experimental.pallas import tpu as pltpu
from jax.experimental.pallas import tpu_sc as plsc

B = 8
N = 8192
S = 512
D = 256
GROUP = 4
SHARD = N // GROUP
CHUNKS = SHARD // 16
UNROLL = 8
ROWS = S // GROUP
PUBW = 32


def _fps_body(xyzp, f, xyz_flat_out, f_out,
              x_ref, y_ref, z_ref, xs_ref, ys_ref, zs_ref, dist_ref,
              pub, cons, idxbuf, xyzflat, idxg, fbuf, sh, sem, psem):
    c = lax.axis_index("c")
    s_id = lax.axis_index("s")
    b = c * 4 + s_id // 4
    m = s_id % 4
    g0 = (s_id // 4) * 4
    base = m * SHARD
    iota = lax.iota(jnp.int32, 16)

    pltpu.sync_copy(xyzp.at[pl.ds((b * 3 + 0) * N, N)], x_ref)
    pltpu.sync_copy(xyzp.at[pl.ds((b * 3 + 1) * N, N)], y_ref)
    pltpu.sync_copy(xyzp.at[pl.ds((b * 3 + 2) * N, N)], z_ref)
    pltpu.sync_copy(xyzp.at[pl.ds((b * 3 + 0) * N + base, SHARD)], xs_ref)
    pltpu.sync_copy(xyzp.at[pl.ds((b * 3 + 1) * N + base, SHARD)], ys_ref)
    pltpu.sync_copy(xyzp.at[pl.ds((b * 3 + 2) * N + base, SHARD)], zs_ref)

    big = jnp.full((16,), 1e10, jnp.float32)

    def init_body(i, carry):
        dist_ref[pl.ds(i * 16, 16)] = big
        return carry

    lax.fori_loop(0, CHUNKS, init_body, 0)

    def publish(wbuf, valv, idxfv):
        pub[pl.ds(0, 16)] = valv
        pub[pl.ds(16, 16)] = idxfv
        pltpu.sync_copy(pub, sh.at[pl.ds(wbuf * (16 * PUBW) + s_id * PUBW,
                                         PUBW)])

    val0 = jnp.where(m == 0, jnp.float32(1.0), jnp.float32(-1.0))
    publish(0, jnp.full((16,), val0, jnp.float32),
            jnp.zeros((16,), jnp.float32))
    plsc.subcore_barrier()

    def step(s_step, rbuf, wbuf):
        pltpu.sync_copy(sh.at[pl.ds(rbuf * (16 * PUBW) + g0 * PUBW,
                                    GROUP * PUBW)], cons)
        v = cons[pl.ds(0, 16)]
        pidxf = cons[pl.ds(16, 16)]
        for r in range(1, GROUP):
            o = r * PUBW
            vr = cons[pl.ds(o, 16)]
            mk = vr > v
            v = jnp.where(mk, vr, v)
            pidxf = jnp.where(mk, cons[pl.ds(o + 16, 16)], pidxf)
        gidxv = pidxf.astype(jnp.int32)

        px = plsc.load_gather(x_ref, [gidxv])
        py = plsc.load_gather(y_ref, [gidxv])
        pz = plsc.load_gather(z_ref, [gidxv])

        @plsc.parallel_loop(0, SHARD, 16, unroll=UNROLL,
                            carry=(jnp.full((16,), -1.0, jnp.float32),
                                   jnp.zeros((16,), jnp.int32)))
        def chunk_loop(off, carry):
            rmax, ridx = carry
            xv = xs_ref[pl.ds(off, 16)]
            yv = ys_ref[pl.ds(off, 16)]
            zv = zs_ref[pl.ds(off, 16)]
            dv = dist_ref[pl.ds(off, 16)]
            dx = xv - px
            dy = yv - py
            dz = zv - pz
            d = (dx * dx + dy * dy) + dz * dz
            dn = jnp.minimum(dv, d)
            dist_ref[pl.ds(off, 16)] = dn
            mk = dn > rmax
            rmax = jnp.where(mk, dn, rmax)
            ridx = jnp.where(mk, base + off + iota, ridx)
            return rmax, ridx

        rmax, ridx = chunk_loop

        gmax = jnp.max(rmax)
        gmaxv = jnp.full((16,), gmax, jnp.float32)
        candf = jnp.where(rmax == gmaxv, ridx.astype(jnp.float32),
                          jnp.float32(3e38))
        gidxf = jnp.min(candf)
        pub[pl.ds(0, 16)] = gmaxv
        pub[pl.ds(16, 16)] = jnp.full((16,), gidxf, jnp.float32)
        cp = pltpu.async_copy(
            pub, sh.at[pl.ds(wbuf * (16 * PUBW) + s_id * PUBW, PUBW)], psem)

        posv = 3 * s_step + iota
        valrec = jnp.where(iota == 0, px, jnp.where(iota == 1, py, pz))
        plsc.store_scatter(xyzflat, [posv], valrec, mask=iota < 3)
        plsc.store_scatter(idxbuf, [jnp.full((16,), s_step, jnp.int32)],
                           gidxv, mask=iota == 0)
        cp.wait()
        plsc.subcore_barrier()

    def outer_body(i, carry):
        step(2 * i, 0, 1)
        step(2 * i + 1, 1, 0)
        return carry

    lax.fori_loop(0, S // 2, outer_body, 0)

    def idx_copy(j, carry):
        idxg[pl.ds(j * 16, 16)] = idxbuf[pl.ds(m * ROWS + j * 16, 16)] + b * N
        return carry

    lax.fori_loop(0, ROWS // 16, idx_copy, 0)
    pltpu.async_copy(f.at[idxg], fbuf, sem).wait()
    pltpu.sync_copy(fbuf, f_out.at[pl.ds(b * S + m * ROWS, ROWS)])

    @pl.when(m == 0)
    def _():
        pltpu.sync_copy(xyzflat, xyz_flat_out.at[pl.ds(b * S * 3, S * 3)])


@jax.jit
def kernel(xyz, f):
    xyzp = jnp.transpose(xyz, (0, 2, 1)).reshape(B * 3 * N)
    f2d = f.reshape(B * N, D)
    mesh = plsc.VectorSubcoreMesh(core_axis_name="c", subcore_axis_name="s")
    fps = pl.kernel(
        _fps_body,
        out_type=(
            jax.ShapeDtypeStruct((B * S * 3,), jnp.float32),
            jax.ShapeDtypeStruct((B * S, D), jnp.float32),
        ),
        mesh=mesh,
        compiler_params=pltpu.CompilerParams(needs_layout_passes=False),
        scratch_types=[
            pltpu.VMEM((N,), jnp.float32),
            pltpu.VMEM((N,), jnp.float32),
            pltpu.VMEM((N,), jnp.float32),
            pltpu.VMEM((SHARD,), jnp.float32),
            pltpu.VMEM((SHARD,), jnp.float32),
            pltpu.VMEM((SHARD,), jnp.float32),
            pltpu.VMEM((SHARD,), jnp.float32),
            pltpu.VMEM((PUBW,), jnp.float32),
            pltpu.VMEM((GROUP * PUBW,), jnp.float32),
            pltpu.VMEM((S,), jnp.int32),
            pltpu.VMEM((S * 3,), jnp.float32),
            pltpu.VMEM((ROWS,), jnp.int32),
            pltpu.VMEM((ROWS, D), jnp.float32),
            pltpu.VMEM_SHARED((2 * 16 * PUBW,), jnp.float32),
            pltpu.SemaphoreType.DMA,
            pltpu.SemaphoreType.DMA,
        ],
    )
    xyz_flat, f_sampled = fps(xyzp, f2d)
    return xyz_flat.reshape(B, S, 3), f_sampled.reshape(B, S, D)

# --- scband reference (transcript-rebuilt; emitter-appended) ---
"""Pipeline reference for scband-sampling-10634339025072 (READ-ONLY COPY).

The authoritative reference and input builder live on the scoring server;
editing this copy changes nothing except your own understanding.
"""

import jax, jax.numpy as jnp
import numpy as np

S = 512

def setup_inputs(seed: int = 0):
    key = jax.random.key(seed)
    k1, k2 = jax.random.split(key)
    xyz = jax.random.uniform(k1, (8, 8192, 3), dtype=jnp.float32)
    f = jax.random.normal(k2, (8, 8192, 256), dtype=jnp.float32)
    return {"xyz": xyz, "f": f}

def farthest_point_sample(xyz, npoint):
    B, N, _ = xyz.shape
    init_dist = jnp.full((B, N), 1e10, dtype=xyz.dtype)
    init_far = jnp.zeros((B,), dtype=jnp.int32)
    def step(carry, _):
        distance, farthest = carry
        centroid = jnp.take_along_axis(xyz, farthest[:, None, None], axis=1)  # (B,1,3)
        d = jnp.sum((xyz - centroid) ** 2, axis=-1)  # (B,N)
        distance = jnp.minimum(distance, d)
        new_far = jnp.argmax(distance, axis=-1).astype(jnp.int32)
        return (distance, new_far), farthest
    _, idxs = jax.lax.scan(step, (init_dist, init_far), None, length=npoint)
    return jnp.transpose(idxs, (1, 0))  # (B, npoint) int32

def index_points(points, idx):
    # points: (B, N, C); idx: (B, S) -> (B, S, C)
    return jnp.take_along_axis(points, idx[:, :, None], axis=1)

def reference(xyz, f):
    idx = farthest_point_sample(xyz, S)
    xyz_sampled = index_points(xyz, idx)
    f_sampled = index_points(f, idx)
    return (xyz_sampled, f_sampled)

if __name__ == "__main__":
    import jax
    _d = setup_inputs()
    print(jax.jit(kernel)(*tuple(_d.values())))

</pallas_src>

<mosaic_0001>
#map = affine_map<(d0, d1) -> (0)>
#map1 = affine_map<(d0, d1) -> (0, 0)>
module attributes {stable_mosaic.version = 14 : i64} {
  func.func @_fps_body(%arg0: i32, %arg1: i32, %arg2: memref<196608xf32, #tpu.memory_space<hbm>>, %arg3: memref<65536x256xf32, #tpu.memory_space<hbm>>, %arg4: memref<12288xf32, #tpu.memory_space<hbm>>, %arg5: memref<4096x256xf32, #tpu.memory_space<hbm>>, %arg6: memref<8192xf32, #tpu.memory_space<vmem>>, %arg7: memref<8192xf32, #tpu.memory_space<vmem>>, %arg8: memref<8192xf32, #tpu.memory_space<vmem>>, %arg9: memref<2048xf32, #tpu.memory_space<vmem>>, %arg10: memref<2048xf32, #tpu.memory_space<vmem>>, %arg11: memref<2048xf32, #tpu.memory_space<vmem>>, %arg12: memref<2048xf32, #tpu.memory_space<vmem>>, %arg13: memref<32xf32, #tpu.memory_space<vmem>>, %arg14: memref<128xf32, #tpu.memory_space<vmem>>, %arg15: memref<512xi32, #tpu.memory_space<vmem>>, %arg16: memref<1536xf32, #tpu.memory_space<vmem>>, %arg17: memref<128xi32, #tpu.memory_space<vmem>>, %arg18: memref<128x256xf32, #tpu.memory_space<vmem>>, %arg19: memref<1024xf32, #tpu.memory_space<vmem_shared>>, %arg20: memref<!tpu.dma_semaphore, #tpu.memory_space<semaphore_mem>>, %arg21: memref<!tpu.dma_semaphore, #tpu.memory_space<semaphore_mem>>) attributes {dimension_semantics = [#tpu.dimension_semantics<core_parallel>, #tpu.dimension_semantics<subcore_parallel>], iteration_bounds = array<i64: 2, 16>, scalar_prefetch = 0 : i64, scratch_operands = 16 : i64, tpu.core_type = #tpu.core_type<sc_vector_subcore>, window_params = [{transform_indices = #map}, {transform_indices = #map1}, {transform_indices = #map}, {transform_indices = #map1}]} {
    %mul3A = arith.constant 4 : i32
    %mul3A_0 = arith.muli %arg0, %mul3A : i32
    %jit3A = arith.constant 4 : i32
    %div3A = arith.divsi %arg1, %jit3A : i32
    %sign3A = arith.constant 0 : i32
    %sign3A_1 = arith.cmpi sgt, %arg1, %sign3A : i32
    %sign3A_2 = arith.extui %sign3A_1 : i1 to i32
    %sign3A_3 = arith.constant 0 : i32
    %sign3A_4 = arith.cmpi slt, %arg1, %sign3A_3 : i32
    %sign3A_5 = arith.extui %sign3A_4 : i1 to i32
    %sign3A_6 = arith.subi %sign3A_2, %sign3A_5 : i32
    %sign3A_7 = arith.constant 0 : i32
    %sign3A_8 = arith.cmpi sgt, %jit3A, %sign3A_7 : i32
    %sign3A_9 = arith.extui %sign3A_8 : i1 to i32
    %sign3A_10 = arith.constant 0 : i32
    %sign3A_11 = arith.cmpi slt, %jit3A, %sign3A_10 : i32
    %sign3A_12 = arith.extui %sign3A_11 : i1 to i32
    %sign3A_13 = arith.subi %sign3A_9, %sign3A_12 : i32
    %ne3A = arith.cmpi ne, %sign3A_6, %sign3A_13 : i32
    %rem3A = arith.remsi %arg1, %jit3A : i32
    %ne3A_14 = arith.constant 0 : i32
    %ne3A_15 = arith.cmpi ne, %rem3A, %ne3A_14 : i32
    %and3A = arith.andi %ne3A, %ne3A_15 : i1
    %sub3A = arith.constant 1 : i32
    %sub3A_16 = arith.subi %div3A, %sub3A : i32
    %select_n3A = arith.select %and3A, %sub3A_16, %div3A : i32
    %add3A = arith.addi %mul3A_0, %select_n3A : i32
    %jit3A_17 = arith.constant 4 : i32
    %eq3A = arith.constant 0 : i32
    %eq3A_18 = arith.cmpi eq, %jit3A_17, %eq3A : i32
    %jit3A_19 = arith.constant 1 : i32
    %select_n3A_20 = arith.select %eq3A_18, %jit3A_19, %jit3A_17 : i32
    %rem3A_21 = arith.remsi %arg1, %select_n3A_20 : i32
    %ne3A_22 = arith.constant 0 : i32
    %ne3A_23 = arith.cmpi ne, %rem3A_21, %ne3A_22 : i32
    %lt3A = arith.constant 0 : i32
    %lt3A_24 = arith.cmpi slt, %rem3A_21, %lt3A : i32
    %lt3A_25 = arith.constant 0 : i32
    %lt3A_26 = arith.cmpi slt, %select_n3A_20, %lt3A_25 : i32
    %ne3A_27 = arith.xori %lt3A_24, %lt3A_26 : i1
    %and3A_28 = arith.andi %ne3A_27, %ne3A_23 : i1
    %add3A_29 = arith.addi %rem3A_21, %select_n3A_20 : i32
    %select_n3A_30 = arith.select %and3A_28, %add3A_29, %rem3A_21 : i32
    %jit3A_31 = arith.constant 4 : i32
    %div3A_32 = arith.divsi %arg1, %jit3A_31 : i32
    %sign3A_33 = arith.constant 0 : i32
    %sign3A_34 = arith.cmpi sgt, %arg1, %sign3A_33 : i32
    %sign3A_35 = arith.extui %sign3A_34 : i1 to i32
    %sign3A_36 = arith.constant 0 : i32
    %sign3A_37 = arith.cmpi slt, %arg1, %sign3A_36 : i32
    %sign3A_38 = arith.extui %sign3A_37 : i1 to i32
    %sign3A_39 = arith.subi %sign3A_35, %sign3A_38 : i32
    %sign3A_40 = arith.constant 0 : i32
    %sign3A_41 = arith.cmpi sgt, %jit3A_31, %sign3A_40 : i32
    %sign3A_42 = arith.extui %sign3A_41 : i1 to i32
    %sign3A_43 = arith.constant 0 : i32
    %sign3A_44 = arith.cmpi slt, %jit3A_31, %sign3A_43 : i32
    %sign3A_45 = arith.extui %sign3A_44 : i1 to i32
    %sign3A_46 = arith.subi %sign3A_42, %sign3A_45 : i32
    %ne3A_47 = arith.cmpi ne, %sign3A_39, %sign3A_46 : i32
    %rem3A_48 = arith.remsi %arg1, %jit3A_31 : i32
    %ne3A_49 = arith.constant 0 : i32
    %ne3A_50 = arith.cmpi ne, %rem3A_48, %ne3A_49 : i32
    %and3A_51 = arith.andi %ne3A_47, %ne3A_50 : i1
    %sub3A_52 = arith.constant 1 : i32
    %sub3A_53 = arith.subi %div3A_32, %sub3A_52 : i32
    %select_n3A_54 = arith.select %and3A_51, %sub3A_53, %div3A_32 : i32
    %mul3A_55 = arith.constant 4 : i32
    %mul3A_56 = arith.muli %select_n3A_54, %mul3A_55 : i32
    %mul3A_57 = arith.constant 2048 : i32
    %mul3A_58 = arith.muli %select_n3A_30, %mul3A_57 : i32
    %iota3A = tpu.iota {dimensions = array<i32: 0>} : vector<16xi32>
    %mul3A_59 = arith.constant 3 : i32
    %mul3A_60 = arith.muli %add3A, %mul3A_59 : i32
    %add3A_61 = arith.constant 0 : i32
    %add3A_62 = arith.addi %mul3A_60, %add3A_61 : i32
    %mul3A_63 = arith.constant 8192 : i32
    %mul3A_64 = arith.muli %add3A_62, %mul3A_63 : i32
    "tpu.region"() ({
      %run_scoped3A = tpu.sem_alloc : memref<!tpu.dma_semaphore, #tpu.memory_space<semaphore_mem>>
      %dma_start3A_143 = tpu.memref_slice %arg2[%mul3A_64] : memref<196608xf32, #tpu.memory_space<hbm>> -> memref<8192xf32, #tpu.memory_space<hbm>>
      %dma_start3A_144 = tpu.memref_slice %arg2[%mul3A_64] : memref<196608xf32, #tpu.memory_space<hbm>> -> memref<8192xf32, #tpu.memory_space<hbm>>
      tpu.enqueue_dma source(%dma_start3A_144 : memref<8192xf32, #tpu.memory_space<hbm>>) target(%arg6 : memref<8192xf32, #tpu.memory_space<vmem>>) target_semaphore(%run_scoped3A : memref<!tpu.dma_semaphore, #tpu.memory_space<semaphore_mem>>)
      %dma_wait3A_145 = tpu.memref_slice %arg2[%mul3A_64] : memref<196608xf32, #tpu.memory_space<hbm>> -> memref<8192xf32, #tpu.memory_space<hbm>>
      %dma_wait3A_146 = tpu.memref_slice %arg2[%mul3A_64] : memref<196608xf32, #tpu.memory_space<hbm>> -> memref<8192xf32, #tpu.memory_space<hbm>>
      tpu.wait_dma2 semaphore(%run_scoped3A : memref<!tpu.dma_semaphore, #tpu.memory_space<semaphore_mem>>) src(%dma_wait3A_146 : memref<8192xf32, #tpu.memory_space<hbm>>) dst(%arg6 : memref<8192xf32, #tpu.memory_space<vmem>>)
      tpu.yield
    }) : () -> ()
    %mul3A_65 = arith.constant 3 : i32
    %mul3A_66 = arith.muli %add3A, %mul3A_65 : i32
    %add3A_67 = arith.constant 1 : i32
    %add3A_68 = arith.addi %mul3A_66, %add3A_67 : i32
    %mul3A_69 = arith.constant 8192 : i32
    %mul3A_70 = arith.muli %add3A_68, %mul3A_69 : i32
    "tpu.region"() ({
      %run_scoped3A = tpu.sem_alloc : memref<!tpu.dma_semaphore, #tpu.memory_space<semaphore_mem>>
      %dma_start3A_143 = tpu.memref_slice %arg2[%mul3A_70] : memref<196608xf32, #tpu.memory_space<hbm>> -> memref<8192xf32, #tpu.memory_space<hbm>>
      %dma_start3A_144 = tpu.memref_slice %arg2[%mul3A_70] : memref<196608xf32, #tpu.memory_space<hbm>> -> memref<8192xf32, #tpu.memory_space<hbm>>
      tpu.enqueue_dma source(%dma_start3A_144 : memref<8192xf32, #tpu.memory_space<hbm>>) target(%arg7 : memref<8192xf32, #tpu.memory_space<vmem>>) target_semaphore(%run_scoped3A : memref<!tpu.dma_semaphore, #tpu.memory_space<semaphore_mem>>)
      %dma_wait3A_145 = tpu.memref_slice %arg2[%mul3A_70] : memref<196608xf32, #tpu.memory_space<hbm>> -> memref<8192xf32, #tpu.memory_space<hbm>>
      %dma_wait3A_146 = tpu.memref_slice %arg2[%mul3A_70] : memref<196608xf32, #tpu.memory_space<hbm>> -> memref<8192xf32, #tpu.memory_space<hbm>>
      tpu.wait_dma2 semaphore(%run_scoped3A : memref<!tpu.dma_semaphore, #tpu.memory_space<semaphore_mem>>) src(%dma_wait3A_146 : memref<8192xf32, #tpu.memory_space<hbm>>) dst(%arg7 : memref<8192xf32, #tpu.memory_space<vmem>>)
      tpu.yield
    }) : () -> ()
    %mul3A_71 = arith.constant 3 : i32
    %mul3A_72 = arith.muli %add3A, %mul3A_71 : i32
    %add3A_73 = arith.constant 2 : i32
    %add3A_74 = arith.addi %mul3A_72, %add3A_73 : i32
    %mul3A_75 = arith.constant 8192 : i32
    %mul3A_76 = arith.muli %add3A_74, %mul3A_75 : i32
    "tpu.region"() ({
      %run_scoped3A = tpu.sem_alloc : memref<!tpu.dma_semaphore, #tpu.memory_space<semaphore_mem>>
      %dma_start3A_143 = tpu.memref_slice %arg2[%mul3A_76] : memref<196608xf32, #tpu.memory_space<hbm>> -> memref<8192xf32, #tpu.memory_space<hbm>>
      %dma_start3A_144 = tpu.memref_slice %arg2[%mul3A_76] : memref<196608xf32, #tpu.memory_space<hbm>> -> memref<8192xf32, #tpu.memory_space<hbm>>
      tpu.enqueue_dma source(%dma_start3A_144 : memref<8192xf32, #tpu.memory_space<hbm>>) target(%arg8 : memref<8192xf32, #tpu.memory_space<vmem>>) target_semaphore(%run_scoped3A : memref<!tpu.dma_semaphore, #tpu.memory_space<semaphore_mem>>)
      %dma_wait3A_145 = tpu.memref_slice %arg2[%mul3A_76] : memref<196608xf32, #tpu.memory_space<hbm>> -> memref<8192xf32, #tpu.memory_space<hbm>>
      %dma_wait3A_146 = tpu.memref_slice %arg2[%mul3A_76] : memref<196608xf32, #tpu.memory_space<hbm>> -> memref<8192xf32, #tpu.memory_space<hbm>>
      tpu.wait_dma2 semaphore(%run_scoped3A : memref<!tpu.dma_semaphore, #tpu.memory_space<semaphore_mem>>) src(%dma_wait3A_146 : memref<8192xf32, #tpu.memory_space<hbm>>) dst(%arg8 : memref<8192xf32, #tpu.memory_space<vmem>>)
      tpu.yield
    }) : () -> ()
    %mul3A_77 = arith.constant 3 : i32
    %mul3A_78 = arith.muli %add3A, %mul3A_77 : i32
    %add3A_79 = arith.constant 0 : i32
    %add3A_80 = arith.addi %mul3A_78, %add3A_79 : i32
    %mul3A_81 = arith.constant 8192 : i32
    %mul3A_82 = arith.muli %add3A_80, %mul3A_81 : i32
    %add3A_83 = arith.addi %mul3A_82, %mul3A_58 : i32
    "tpu.region"() ({
      %run_scoped3A = tpu.sem_alloc : memref<!tpu.dma_semaphore, #tpu.memory_space<semaphore_mem>>
      %dma_start3A_143 = tpu.memref_slice %arg2[%add3A_83] : memref<196608xf32, #tpu.memory_space<hbm>> -> memref<2048xf32, #tpu.memory_space<hbm>>
      %dma_start3A_144 = tpu.memref_slice %arg2[%add3A_83] : memref<196608xf32, #tpu.memory_space<hbm>> -> memref<2048xf32, #tpu.memory_space<hbm>>
      tpu.enqueue_dma source(%dma_start3A_144 : memref<2048xf32, #tpu.memory_space<hbm>>) target(%arg9 : memref<2048xf32, #tpu.memory_space<vmem>>) target_semaphore(%run_scoped3A : memref<!tpu.dma_semaphore, #tpu.memory_space<semaphore_mem>>)
      %dma_wait3A_145 = tpu.memref_slice %arg2[%add3A_83] : memref<196608xf32, #tpu.memory_space<hbm>> -> memref<2048xf32, #tpu.memory_space<hbm>>
      %dma_wait3A_146 = tpu.memref_slice %arg2[%add3A_83] : memref<196608xf32, #tpu.memory_space<hbm>> -> memref<2048xf32, #tpu.memory_space<hbm>>
      tpu.wait_dma2 semaphore(%run_scoped3A : memref<!tpu.dma_semaphore, #tpu.memory_space<semaphore_mem>>) src(%dma_wait3A_146 : memref<2048xf32, #tpu.memory_space<hbm>>) dst(%arg9 : memref<2048xf32, #tpu.memory_space<vmem>>)
      tpu.yield
    }) : () -> ()
    %mul3A_84 = arith.constant 3 : i32
    %mul3A_85 = arith.muli %add3A, %mul3A_84 : i32
    %add3A_86 = arith.constant 1 : i32
    %add3A_87 = arith.addi %mul3A_85, %add3A_86 : i32
    %mul3A_88 = arith.constant 8192 : i32
    %mul3A_89 = arith.muli %add3A_87, %mul3A_88 : i32
    %add3A_90 = arith.addi %mul3A_89, %mul3A_58 : i32
    "tpu.region"() ({
      %run_scoped3A = tpu.sem_alloc : memref<!tpu.dma_semaphore, #tpu.memory_space<semaphore_mem>>
      %dma_start3A_143 = tpu.memref_slice %arg2[%add3A_90] : memref<196608xf32, #tpu.memory_space<hbm>> -> memref<2048xf32, #tpu.memory_space<hbm>>
      %dma_start3A_144 = tpu.memref_slice %arg2[%add3A_90] : memref<196608xf32, #tpu.memory_space<hbm>> -> memref<2048xf32, #tpu.memory_space<hbm>>
      tpu.enqueue_dma source(%dma_start3A_144 : memref<2048xf32, #tpu.memory_space<hbm>>) target(%arg10 : memref<2048xf32, #tpu.memory_space<vmem>>) target_semaphore(%run_scoped3A : memref<!tpu.dma_semaphore, #tpu.memory_space<semaphore_mem>>)
      %dma_wait3A_145 = tpu.memref_slice %arg2[%add3A_90] : memref<196608xf32, #tpu.memory_space<hbm>> -> memref<2048xf32, #tpu.memory_space<hbm>>
      %dma_wait3A_146 = tpu.memref_slice %arg2[%add3A_90] : memref<196608xf32, #tpu.memory_space<hbm>> -> memref<2048xf32, #tpu.memory_space<hbm>>
      tpu.wait_dma2 semaphore(%run_scoped3A : memref<!tpu.dma_semaphore, #tpu.memory_space<semaphore_mem>>) src(%dma_wait3A_146 : memref<2048xf32, #tpu.memory_space<hbm>>) dst(%arg10 : memref<2048xf32, #tpu.memory_space<vmem>>)
      tpu.yield
    }) : () -> ()
    %mul3A_91 = arith.constant 3 : i32
    %mul3A_92 = arith.muli %add3A, %mul3A_91 : i32
    %add3A_93 = arith.constant 2 : i32
    %add3A_94 = arith.addi %mul3A_92, %add3A_93 : i32
    %mul3A_95 = arith.constant 8192 : i32
    %mul3A_96 = arith.muli %add3A_94, %mul3A_95 : i32
    %add3A_97 = arith.addi %mul3A_96, %mul3A_58 : i32
    "tpu.region"() ({
      %run_scoped3A = tpu.sem_alloc : memref<!tpu.dma_semaphore, #tpu.memory_space<semaphore_mem>>
      %dma_start3A_143 = tpu.memref_slice %arg2[%add3A_97] : memref<196608xf32, #tpu.memory_space<hbm>> -> memref<2048xf32, #tpu.memory_space<hbm>>
      %dma_start3A_144 = tpu.memref_slice %arg2[%add3A_97] : memref<196608xf32, #tpu.memory_space<hbm>> -> memref<2048xf32, #tpu.memory_space<hbm>>
      tpu.enqueue_dma source(%dma_start3A_144 : memref<2048xf32, #tpu.memory_space<hbm>>) target(%arg11 : memref<2048xf32, #tpu.memory_space<vmem>>) target_semaphore(%run_scoped3A : memref<!tpu.dma_semaphore, #tpu.memory_space<semaphore_mem>>)
      %dma_wait3A_145 = tpu.memref_slice %arg2[%add3A_97] : memref<196608xf32, #tpu.memory_space<hbm>> -> memref<2048xf32, #tpu.memory_space<hbm>>
      %dma_wait3A_146 = tpu.memref_slice %arg2[%add3A_97] : memref<196608xf32, #tpu.memory_space<hbm>> -> memref<2048xf32, #tpu.memory_space<hbm>>
      tpu.wait_dma2 semaphore(%run_scoped3A : memref<!tpu.dma_semaphore, #tpu.memory_space<semaphore_mem>>) src(%dma_wait3A_146 : memref<2048xf32, #tpu.memory_space<hbm>>) dst(%arg11 : memref<2048xf32, #tpu.memory_space<vmem>>)
      tpu.yield
    }) : () -> ()
    %broadcast_in_dim3A = arith.constant 1.000000e+10 : f32
    %broadcast_in_dim3A_98 = vector.broadcast %broadcast_in_dim3A : f32 to vector<16xf32>
    %scan3A = arith.constant 0 : i32
    %scan3A_99 = arith.constant 0 : i32
    %scan3A_100 = arith.constant 128 : i32
    %scan3A_101 = arith.addi %scan3A_99, %scan3A_100 : i32
    %scan3A_102 = arith.constant 1 : i32
    scf.for %scan3A_143 = %scan3A_99 to %scan3A_101 step %scan3A_102  : i32 {
      %mul3A_144 = arith.constant 16 : i32
      %mul3A_145 = arith.muli %scan3A_143, %mul3A_144 : i32
      %swap3A_146 = arith.index_cast %mul3A_145 : i32 to index
      %swap3A_147 = tpu.vector_load %arg12[%swap3A_146] {strides = array<i32>} : memref<2048xf32, #tpu.memory_space<vmem>>, vector<16xf32>,
      tpu.vector_store %arg12[%swap3A_146], %broadcast_in_dim3A_98 {strides = array<i32>} : memref<2048xf32, #tpu.memory_space<vmem>>, vector<16xf32>,
    }
    %scan3A_103 = arith.constant 128 : i32
    %eq3A_104 = arith.constant 0 : i32
    %eq3A_105 = arith.cmpi eq, %select_n3A_30, %eq3A_104 : i32
    %jit3A_106 = arith.constant 1.000000e+00 : f32
    %jit3A_107 = arith.constant -1.000000e+00 : f32
    %select_n3A_108 = arith.select %eq3A_105, %jit3A_106, %jit3A_107 : f32
    %broadcast_in_dim3A_109 = vector.broadcast %select_n3A_108 : f32 to vector<16xf32>
    %broadcast_in_dim3A_110 = arith.constant 0.000000e+00 : f32
    %broadcast_in_dim3A_111 = vector.broadcast %broadcast_in_dim3A_110 : f32 to vector<16xf32>
    %swap3A = arith.constant 0 : index
    %swap3A_112 = tpu.vector_load %arg13[%swap3A] {strides = array<i32>} : memref<32xf32, #tpu.memory_space<vmem>>, vector<16xf32>,
    tpu.vector_store %arg13[%swap3A], %broadcast_in_dim3A_109 {strides = array<i32>} : memref<32xf32, #tpu.memory_space<vmem>>, vector<16xf32>,
    %swap3A_113 = arith.constant 16 : index
    %swap3A_114 = tpu.vector_load %arg13[%swap3A_113] {strides = array<i32>} : memref<32xf32, #tpu.memory_space<vmem>>, vector<16xf32>,
    tpu.vector_store %arg13[%swap3A_113], %broadcast_in_dim3A_111 {strides = array<i32>} : memref<32xf32, #tpu.memory_space<vmem>>, vector<16xf32>,
    %mul3A_115 = arith.constant 32 : i32
    %mul3A_116 = arith.muli %arg1, %mul3A_115 : i32
    %add3A_117 = arith.constant 0 : i32
    %add3A_118 = arith.addi %add3A_117, %mul3A_116 : i32
    "tpu.region"() ({
      %run_scoped3A = tpu.sem_alloc : memref<!tpu.dma_semaphore, #tpu.memory_space<semaphore_mem>>
      %dma_start3A_143 = tpu.memref_slice %arg19[%add3A_118] : memref<1024xf32, #tpu.memory_space<vmem_shared>> -> memref<32xf32, #tpu.memory_space<vmem_shared>>
      %dma_start3A_144 = tpu.memref_slice %arg19[%add3A_118] : memref<1024xf32, #tpu.memory_space<vmem_shared>> -> memref<32xf32, #tpu.memory_space<vmem_shared>>
      tpu.enqueue_dma source(%arg13 : memref<32xf32, #tpu.memory_space<vmem>>) target(%dma_start3A_144 : memref<32xf32, #tpu.memory_space<vmem_shared>>) target_semaphore(%run_scoped3A : memref<!tpu.dma_semaphore, #tpu.memory_space<semaphore_mem>>)
      %dma_wait3A_145 = tpu.memref_slice %arg19[%add3A_118] : memref<1024xf32, #tpu.memory_space<vmem_shared>> -> memref<32xf32, #tpu.memory_space<vmem_shared>>
      %dma_wait3A_146 = tpu.memref_slice %arg19[%add3A_118] : memref<1024xf32, #tpu.memory_space<vmem_shared>> -> memref<32xf32, #tpu.memory_space<vmem_shared>>
      tpu.wait_dma2 semaphore(%run_scoped3A : memref<!tpu.dma_semaphore, #tpu.memory_space<semaphore_mem>>) src(%arg13 : memref<32xf32, #tpu.memory_space<vmem>>) dst(%dma_wait3A_146 : memref<32xf32, #tpu.memory_space<vmem_shared>>)
      tpu.yield
    }) : () -> ()
    %barrier3A = arith.constant 0 : index
    tpu.barrier barrier_id(%barrier3A)
    %scan3A_119 = arith.constant 0 : i32
    %scan3A_120 = arith.constant 0 : i32
    %scan3A_121 = arith.constant 256 : i32
    %scan3A_122 = arith.addi %scan3A_120, %scan3A_121 : i32
    %scan3A_123 = arith.constant 1 : i32
    scf.for %scan3A_143 = %scan3A_120 to %scan3A_122 step %scan3A_123  : i32 {
      %mul3A_144 = arith.constant 2 : i32
      %mul3A_145 = arith.muli %mul3A_144, %scan3A_143 : i32
      %mul3A_146 = arith.constant 32 : i32
      %mul3A_147 = arith.muli %mul3A_56, %mul3A_146 : i32
      %add3A_148 = arith.constant 0 : i32
      %add3A_149 = arith.addi %add3A_148, %mul3A_147 : i32
      "tpu.region"() ({
        %run_scoped3A = tpu.sem_alloc : memref<!tpu.dma_semaphore, #tpu.memory_space<semaphore_mem>>
        %dma_start3A_320 = tpu.memref_slice %arg19[%add3A_149] : memref<1024xf32, #tpu.memory_space<vmem_shared>> -> memref<128xf32, #tpu.memory_space<vmem_shared>>
        %dma_start3A_321 = tpu.memref_slice %arg19[%add3A_149] : memref<1024xf32, #tpu.memory_space<vmem_shared>> -> memref<128xf32, #tpu.memory_space<vmem_shared>>
        tpu.enqueue_dma source(%dma_start3A_321 : memref<128xf32, #tpu.memory_space<vmem_shared>>) target(%arg14 : memref<128xf32, #tpu.memory_space<vmem>>) target_semaphore(%run_scoped3A : memref<!tpu.dma_semaphore, #tpu.memory_space<semaphore_mem>>)
        %dma_wait3A_322 = tpu.memref_slice %arg19[%add3A_149] : memref<1024xf32, #tpu.memory_space<vmem_shared>> -> memref<128xf32, #tpu.memory_space<vmem_shared>>
        %dma_wait3A_323 = tpu.memref_slice %arg19[%add3A_149] : memref<1024xf32, #tpu.memory_space<vmem_shared>> -> memref<128xf32, #tpu.memory_space<vmem_shared>>
        tpu.wait_dma2 semaphore(%run_scoped3A : memref<!tpu.dma_semaphore, #tpu.memory_space<semaphore_mem>>) src(%dma_wait3A_323 : memref<128xf32, #tpu.memory_space<vmem_shared>>) dst(%arg14 : memref<128xf32, #tpu.memory_space<vmem>>)
        tpu.yield
      }) : () -> ()
      %get3A = arith.constant 0 : index
      %get3A_150 = tpu.vector_load %arg14[%get3A] {strides = array<i32>} : memref<128xf32, #tpu.memory_space<vmem>>, vector<16xf32>,
      %get3A_151 = arith.constant 16 : index
      %get3A_152 = tpu.vector_load %arg14[%get3A_151] {strides = array<i32>} : memref<128xf32, #tpu.memory_space<vmem>>, vector<16xf32>,
      %get3A_153 = arith.constant 32 : index
      %get3A_154 = tpu.vector_load %arg14[%get3A_153] {strides = array<i32>} : memref<128xf32, #tpu.memory_space<vmem>>, vector<16xf32>,
      %gt3A = arith.cmpf ogt, %get3A_154, %get3A_150 : vector<16xf32>
      %select_n3A_155 = arith.select %gt3A, %get3A_154, %get3A_150 : vector<16xi1>, vector<16xf32>
      %get3A_156 = arith.constant 48 : index
      %get3A_157 = tpu.vector_load %arg14[%get3A_156] {strides = array<i32>} : memref<128xf32, #tpu.memory_space<vmem>>, vector<16xf32>,
      %select_n3A_158 = arith.select %gt3A, %get3A_157, %get3A_152 : vector<16xi1>, vector<16xf32>
      %get3A_159 = arith.constant 64 : index
      %get3A_160 = tpu.vector_load %arg14[%get3A_159] {strides = array<i32>} : memref<128xf32, #tpu.memory_space<vmem>>, vector<16xf32>,
      %gt3A_161 = arith.cmpf ogt, %get3A_160, %select_n3A_155 : vector<16xf32>
      %select_n3A_162 = arith.select %gt3A_161, %get3A_160, %select_n3A_155 : vector<16xi1>, vector<16xf32>
      %get3A_163 = arith.constant 80 : index
      %get3A_164 = tpu.vector_load %arg14[%get3A_163] {strides = array<i32>} : memref<128xf32, #tpu.memory_space<vmem>>, vector<16xf32>,
      %select_n3A_165 = arith.select %gt3A_161, %get3A_164, %select_n3A_158 : vector<16xi1>, vector<16xf32>
      %get3A_166 = arith.constant 96 : index
      %get3A_167 = tpu.vector_load %arg14[%get3A_166] {strides = array<i32>} : memref<128xf32, #tpu.memory_space<vmem>>, vector<16xf32>,
      %gt3A_168 = arith.cmpf ogt, %get3A_167, %select_n3A_162 : vector<16xf32>
      %select_n3A_169 = arith.select %gt3A_168, %get3A_167, %select_n3A_162 : vector<16xi1>, vector<16xf32>
      %get3A_170 = arith.constant 112 : index
      %get3A_171 = tpu.vector_load %arg14[%get3A_170] {strides = array<i32>} : memref<128xf32, #tpu.memory_space<vmem>>, vector<16xf32>,
      %select_n3A_172 = arith.select %gt3A_168, %get3A_171, %select_n3A_165 : vector<16xi1>, vector<16xf32>
      %convert_element_type3A_173 = arith.fptosi %select_n3A_172 : vector<16xf32> to vector<16xi32>
      %gather3A = tpu.vector_load_idx %arg6[%convert_element_type3A_173] : memref<8192xf32, #tpu.memory_space<vmem>>[vector<16xi32>], vector<16xf32>,
      %gather3A_174 = tpu.vector_load_idx %arg7[%convert_element_type3A_173] : memref<8192xf32, #tpu.memory_space<vmem>>[vector<16xi32>], vector<16xf32>,
      %gather3A_175 = tpu.vector_load_idx %arg8[%convert_element_type3A_173] : memref<8192xf32, #tpu.memory_space<vmem>>[vector<16xi32>], vector<16xf32>,
      %broadcast_in_dim3A_176 = arith.constant -1.000000e+00 : f32
      %broadcast_in_dim3A_177 = vector.broadcast %broadcast_in_dim3A_176 : f32 to vector<16xf32>
      %broadcast_in_dim3A_178 = arith.constant 0 : i32
      %broadcast_in_dim3A_179 = vector.broadcast %broadcast_in_dim3A_178 : i32 to vector<16xi32>
      %parallel_loop3A = arith.constant 0 : i32
      %parallel_loop3A_180 = arith.constant 2048 : i32
      %parallel_loop3A_181 = arith.constant 16 : i32
      %parallel_loop3A_182:2 = scf.for %parallel_loop3A_320 = %parallel_loop3A to %parallel_loop3A_180 step %parallel_loop3A_181 iter_args(%parallel_loop3A_321 = %broadcast_in_dim3A_177, %parallel_loop3A_322 = %broadcast_in_dim3A_179) -> (vector<16xf32>, vector<16xi32>)  : i32 {
        %parallel_loop3A_323 = arith.index_cast %parallel_loop3A_320 : i32 to index
        %parallel_loop3A_324 = tpu.vector_load %arg9[%parallel_loop3A_323] {strides = array<i32>} : memref<2048xf32, #tpu.memory_space<vmem>>, vector<16xf32>,
        %parallel_loop3A_325 = arith.index_cast %parallel_loop3A_320 : i32 to index
        %parallel_loop3A_326 = tpu.vector_load %arg10[%parallel_loop3A_325] {strides = array<i32>} : memref<2048xf32, #tpu.memory_space<vmem>>, vector<16xf32>,
        %parallel_loop3A_327 = arith.index_cast %parallel_loop3A_320 : i32 to index
        %parallel_loop3A_328 = tpu.vector_load %arg11[%parallel_loop3A_327] {strides = array<i32>} : memref<2048xf32, #tpu.memory_space<vmem>>, vector<16xf32>,
        %parallel_loop3A_329 = arith.index_cast %parallel_loop3A_320 : i32 to index
        %parallel_loop3A_330 = tpu.vector_load %arg12[%parallel_loop3A_329] {strides = array<i32>} : memref<2048xf32, #tpu.memory_space<vmem>>, vector<16xf32>,
        %parallel_loop3A_331 = arith.subf %parallel_loop3A_324, %gather3A : vector<16xf32>
        %parallel_loop3A_332 = arith.subf %parallel_loop3A_326, %gather3A_174 : vector<16xf32>
        %parallel_loop3A_333 = arith.subf %parallel_loop3A_328, %gather3A_175 : vector<16xf32>
        %parallel_loop3A_334 = arith.mulf %parallel_loop3A_331, %parallel_loop3A_331 : vector<16xf32>
        %parallel_loop3A_335 = arith.mulf %parallel_loop3A_332, %parallel_loop3A_332 : vector<16xf32>
        %parallel_loop3A_336 = arith.addf %parallel_loop3A_334, %parallel_loop3A_335 : vector<16xf32>
        %parallel_loop3A_337 = arith.mulf %parallel_loop3A_333, %parallel_loop3A_333 : vector<16xf32>
        %parallel_loop3A_338 = arith.addf %parallel_loop3A_336, %parallel_loop3A_337 : vector<16xf32>
        %parallel_loop3A_339 = arith.minimumf %parallel_loop3A_330, %parallel_loop3A_338 : vector<16xf32>
        %parallel_loop3A_340 = arith.index_cast %parallel_loop3A_320 : i32 to index
        %parallel_loop3A_341 = tpu.vector_load %arg12[%parallel_loop3A_340] {strides = array<i32>} : memref<2048xf32, #tpu.memory_space<vmem>>, vector<16xf32>,
        tpu.vector_store %arg12[%parallel_loop3A_340], %parallel_loop3A_339 {strides = array<i32>} : memref<2048xf32, #tpu.memory_space<vmem>>, vector<16xf32>,
        %parallel_loop3A_342 = arith.cmpf ogt, %parallel_loop3A_339, %parallel_loop3A_321 : vector<16xf32>
        %parallel_loop3A_343 = arith.select %parallel_loop3A_342, %parallel_loop3A_339, %parallel_loop3A_321 : vector<16xi1>, vector<16xf32>
        %parallel_loop3A_344 = arith.addi %mul3A_58, %parallel_loop3A_320 : i32
        %parallel_loop3A_345 = vector.broadcast %parallel_loop3A_344 : i32 to vector<16xi32>
        %parallel_loop3A_346 = arith.addi %parallel_loop3A_345, %iota3A : vector<16xi32>
        %parallel_loop3A_347 = arith.select %parallel_loop3A_342, %parallel_loop3A_346, %parallel_loop3A_322 : vector<16xi1>, vector<16xi32>
        scf.yield %parallel_loop3A_343, %parallel_loop3A_347 : vector<16xf32>, vector<16xi32>
      } {sc.loop_unroll_factor = 8 : i64, sc.parallel_access}
      %reduce_max3A = arith.constant true
      %reduce_max3A_183 = vector.broadcast %reduce_max3A : i1 to vector<16xi1>
      %reduce_max3A_184 = tpu.scan <max>, %parallel_loop3A_182#0 masked %reduce_max3A_183 : vector<16xf32>, vector<16xi1> -> vector<16xf32>
      %reduce_max3A_185 = vector.extract %reduce_max3A_184[15] : f32 from vector<16xf32>
      %broadcast_in_dim3A_186 = vector.broadcast %reduce_max3A_185 : f32 to vector<16xf32>
      %eq3A_187 = arith.cmpf oeq, %parallel_loop3A_182#0, %broadcast_in_dim3A_186 : vector<16xf32>
      %convert_element_type3A_188 = arith.sitofp %parallel_loop3A_182#1 : vector<16xi32> to vector<16xf32>
      %jit3A_189 = arith.constant 3.000000e+38 : f32
      %broadcast_in_dim3A_190 = vector.broadcast %jit3A_189 : f32 to vector<16xf32>
      %select_n3A_191 = arith.select %eq3A_187, %convert_element_type3A_188, %broadcast_in_dim3A_190 : vector<16xi1>, vector<16xf32>
      %reduce_min3A = arith.constant true
      %reduce_min3A_192 = vector.broadcast %reduce_min3A : i1 to vector<16xi1>
      %reduce_min3A_193 = tpu.scan <min>, %select_n3A_191 masked %reduce_min3A_192 : vector<16xf32>, vector<16xi1> -> vector<16xf32>
      %reduce_min3A_194 = vector.extract %reduce_min3A_193[15] : f32 from vector<16xf32>
      %swap3A_195 = arith.constant 0 : index
      %swap3A_196 = tpu.vector_load %arg13[%swap3A_195] {strides = array<i32>} : memref<32xf32, #tpu.memory_space<vmem>>, vector<16xf32>,
      tpu.vector_store %arg13[%swap3A_195], %broadcast_in_dim3A_186 {strides = array<i32>} : memref<32xf32, #tpu.memory_space<vmem>>, vector<16xf32>,
      %broadcast_in_dim3A_197 = vector.broadcast %reduce_min3A_194 : f32 to vector<16xf32>
      %swap3A_198 = arith.constant 16 : index
      %swap3A_199 = tpu.vector_load %arg13[%swap3A_198] {strides = array<i32>} : memref<32xf32, #tpu.memory_space<vmem>>, vector<16xf32>,
      tpu.vector_store %arg13[%swap3A_198], %broadcast_in_dim3A_197 {strides = array<i32>} : memref<32xf32, #tpu.memory_space<vmem>>, vector<16xf32>,
      %mul3A_200 = arith.constant 32 : i32
      %mul3A_201 = arith.muli %arg1, %mul3A_200 : i32
      %add3A_202 = arith.constant 512 : i32
      %add3A_203 = arith.addi %add3A_202, %mul3A_201 : i32
      %dma_start3A_204 = tpu.memref_slice %arg19[%add3A_203] : memref<1024xf32, #tpu.memory_space<vmem_shared>> -> memref<32xf32, #tpu.memory_space<vmem_shared>>
      %dma_start3A_205 = tpu.memref_slice %arg19[%add3A_203] : memref<1024xf32, #tpu.memory_space<vmem_shared>> -> memref<32xf32, #tpu.memory_space<vmem_shared>>
      tpu.enqueue_dma source(%arg13 : memref<32xf32, #tpu.memory_space<vmem>>) target(%dma_start3A_205 : memref<32xf32, #tpu.memory_space<vmem_shared>>) target_semaphore(%arg21 : memref<!tpu.dma_semaphore, #tpu.memory_space<semaphore_mem>>)
      %mul3A_206 = arith.constant 3 : i32
      %mul3A_207 = arith.muli %mul3A_206, %mul3A_145 : i32
      %add3A_208 = vector.broadcast %mul3A_207 : i32 to vector<16xi32>
      %add3A_209 = arith.addi %add3A_208, %iota3A : vector<16xi32>
      %eq3A_210 = arith.constant 0 : i32
      %eq3A_211 = vector.broadcast %eq3A_210 : i32 to vector<16xi32>
      %eq3A_212 = arith.cmpi eq, %iota3A, %eq3A_211 : vector<16xi32>
      %eq3A_213 = arith.constant 1 : i32
      %eq3A_214 = vector.broadcast %eq3A_213 : i32 to vector<16xi32>
      %eq3A_215 = arith.cmpi eq, %iota3A, %eq3A_214 : vector<16xi32>
      %select_n3A_216 = arith.select %eq3A_215, %gather3A_174, %gather3A_175 : vector<16xi1>, vector<16xf32>
      %select_n3A_217 = arith.select %eq3A_212, %gather3A, %select_n3A_216 : vector<16xi1>, vector<16xf32>
      %lt3A_218 = arith.constant 3 : i32
      %lt3A_219 = vector.broadcast %lt3A_218 : i32 to vector<16xi32>
      %lt3A_220 = arith.cmpi slt, %iota3A, %lt3A_219 : vector<16xi32>
      tpu.vector_store_idx %arg16[%add3A_209], %select_n3A_217 masked %lt3A_220 : memref<1536xf32, #tpu.memory_space<vmem>>[vector<16xi32>], vector<16xf32>, vector<16xi1>
      %broadcast_in_dim3A_221 = vector.broadcast %mul3A_145 : i32 to vector<16xi32>
      %eq3A_222 = arith.constant 0 : i32
      %eq3A_223 = vector.broadcast %eq3A_222 : i32 to vector<16xi32>
      %eq3A_224 = arith.cmpi eq, %iota3A, %eq3A_223 : vector<16xi32>
      tpu.vector_store_idx %arg15[%broadcast_in_dim3A_221], %convert_element_type3A_173 masked %eq3A_224 : memref<512xi32, #tpu.memory_space<vmem>>[vector<16xi32>], vector<16xi32>, vector<16xi1>
      %dma_wait3A_225 = tpu.memref_slice %arg19[%add3A_203] : memref<1024xf32, #tpu.memory_space<vmem_shared>> -> memref<32xf32, #tpu.memory_space<vmem_shared>>
      %dma_wait3A_226 = tpu.memref_slice %arg19[%add3A_203] : memref<1024xf32, #tpu.memory_space<vmem_shared>> -> memref<32xf32, #tpu.memory_space<vmem_shared>>
      tpu.wait_dma2 semaphore(%arg21 : memref<!tpu.dma_semaphore, #tpu.memory_space<semaphore_mem>>) src(%arg13 : memref<32xf32, #tpu.memory_space<vmem>>) dst(%dma_wait3A_226 : memref<32xf32, #tpu.memory_space<vmem_shared>>)
      %barrier3A_227 = arith.constant 0 : index
      tpu.barrier barrier_id(%barrier3A_227)
      %mul3A_228 = arith.constant 2 : i32
      %mul3A_229 = arith.muli %mul3A_228, %scan3A_143 : i32
      %add3A_230 = arith.constant 1 : i32
      %add3A_231 = arith.addi %mul3A_229, %add3A_230 : i32
      %mul3A_232 = arith.constant 32 : i32
      %mul3A_233 = arith.muli %mul3A_56, %mul3A_232 : i32
      %add3A_234 = arith.constant 512 : i32
      %add3A_235 = arith.addi %add3A_234, %mul3A_233 : i32
      "tpu.region"() ({
        %run_scoped3A = tpu.sem_alloc : memref<!tpu.dma_semaphore, #tpu.memory_space<semaphore_mem>>
        %dma_start3A_320 = tpu.memref_slice %arg19[%add3A_235] : memref<1024xf32, #tpu.memory_space<vmem_shared>> -> memref<128xf32, #tpu.memory_space<vmem_shared>>
        %dma_start3A_321 = tpu.memref_slice %arg19[%add3A_235] : memref<1024xf32, #tpu.memory_space<vmem_shared>> -> memref<128xf32, #tpu.memory_space<vmem_shared>>
        tpu.enqueue_dma source(%dma_start3A_321 : memref<128xf32, #tpu.memory_space<vmem_shared>>) target(%arg14 : memref<128xf32, #tpu.memory_space<vmem>>) target_semaphore(%run_scoped3A : memref<!tpu.dma_semaphore, #tpu.memory_space<semaphore_mem>>)
        %dma_wait3A_322 = tpu.memref_slice %arg19[%add3A_235] : memref<1024xf32, #tpu.memory_space<vmem_shared>> -> memref<128xf32, #tpu.memory_space<vmem_shared>>
        %dma_wait3A_323 = tpu.memref_slice %arg19[%add3A_235] : memref<1024xf32, #tpu.memory_space<vmem_shared>> -> memref<128xf32, #tpu.memory_space<vmem_shared>>
        tpu.wait_dma2 semaphore(%run_scoped3A : memref<!tpu.dma_semaphore, #tpu.memory_space<semaphore_mem>>) src(%dma_wait3A_323 : memref<128xf32, #tpu.memory_space<vmem_shared>>) dst(%arg14 : memref<128xf32, #tpu.memory_space<vmem>>)
        tpu.yield
      }) : () -> ()
      %get3A_236 = arith.constant 0 : index
      %get3A_237 = tpu.vector_load %arg14[%get3A_236] {strides = array<i32>} : memref<128xf32, #tpu.memory_space<vmem>>, vector<16xf32>,
      %get3A_238 = arith.constant 16 : index
      %get3A_239 = tpu.vector_load %arg14[%get3A_238] {strides = array<i32>} : memref<128xf32, #tpu.memory_space<vmem>>, vector<16xf32>,
      %get3A_240 = arith.constant 32 : index
      %get3A_241 = tpu.vector_load %arg14[%get3A_240] {strides = array<i32>} : memref<128xf32, #tpu.memory_space<vmem>>, vector<16xf32>,
      %gt3A_242 = arith.cmpf ogt, %get3A_241, %get3A_237 : vector<16xf32>
      %select_n3A_243 = arith.select %gt3A_242, %get3A_241, %get3A_237 : vector<16xi1>, vector<16xf32>
      %get3A_244 = arith.constant 48 : index
      %get3A_245 = tpu.vector_load %arg14[%get3A_244] {strides = array<i32>} : memref<128xf32, #tpu.memory_space<vmem>>, vector<16xf32>,
      %select_n3A_246 = arith.select %gt3A_242, %get3A_245, %get3A_239 : vector<16xi1>, vector<16xf32>
      %get3A_247 = arith.constant 64 : index
      %get3A_248 = tpu.vector_load %arg14[%get3A_247] {strides = array<i32>} : memref<128xf32, #tpu.memory_space<vmem>>, vector<16xf32>,
      %gt3A_249 = arith.cmpf ogt, %get3A_248, %select_n3A_243 : vector<16xf32>
      %select_n3A_250 = arith.select %gt3A_249, %get3A_248, %select_n3A_243 : vector<16xi1>, vector<16xf32>
      %get3A_251 = arith.constant 80 : index
      %get3A_252 = tpu.vector_load %arg14[%get3A_251] {strides = array<i32>} : memref<128xf32, #tpu.memory_space<vmem>>, vector<16xf32>,
      %select_n3A_253 = arith.select %gt3A_249, %get3A_252, %select_n3A_246 : vector<16xi1>, vector<16xf32>
      %get3A_254 = arith.constant 96 : index
      %get3A_255 = tpu.vector_load %arg14[%get3A_254] {strides = array<i32>} : memref<128xf32, #tpu.memory_space<vmem>>, vector<16xf32>,
      %gt3A_256 = arith.cmpf ogt, %get3A_255, %select_n3A_250 : vector<16xf32>
      %select_n3A_257 = arith.select %gt3A_256, %get3A_255, %select_n3A_250 : vector<16xi1>, vector<16xf32>
      %get3A_258 = arith.constant 112 : index
      %get3A_259 = tpu.vector_load %arg14[%get3A_258] {strides = array<i32>} : memref<128xf32, #tpu.memory_space<vmem>>, vector<16xf32>,
      %select_n3A_260 = arith.select %gt3A_256, %get3A_259, %select_n3A_253 : vector<16xi1>, vector<16xf32>
      %convert_element_type3A_261 = arith.fptosi %select_n3A_260 : vector<16xf32> to vector<16xi32>
      %gather3A_262 = tpu.vector_load_idx %arg6[%convert_element_type3A_261] : memref<8192xf32, #tpu.memory_space<vmem>>[vector<16xi32>], vector<16xf32>,
      %gather3A_263 = tpu.vector_load_idx %arg7[%convert_element_type3A_261] : memref<8192xf32, #tpu.memory_space<vmem>>[vector<16xi32>], vector<16xf32>,
      %gather3A_264 = tpu.vector_load_idx %arg8[%convert_element_type3A_261] : memref<8192xf32, #tpu.memory_space<vmem>>[vector<16xi32>], vector<16xf32>,
      %broadcast_in_dim3A_265 = arith.constant -1.000000e+00 : f32
      %broadcast_in_dim3A_266 = vector.broadcast %broadcast_in_dim3A_265 : f32 to vector<16xf32>
      %broadcast_in_dim3A_267 = arith.constant 0 : i32
      %broadcast_in_dim3A_268 = vector.broadcast %broadcast_in_dim3A_267 : i32 to vector<16xi32>
      %parallel_loop3A_269 = arith.constant 0 : i32
      %parallel_loop3A_270 = arith.constant 2048 : i32
      %parallel_loop3A_271 = arith.constant 16 : i32
      %parallel_loop3A_272:2 = scf.for %parallel_loop3A_320 = %parallel_loop3A_269 to %parallel_loop3A_270 step %parallel_loop3A_271 iter_args(%parallel_loop3A_321 = %broadcast_in_dim3A_266, %parallel_loop3A_322 = %broadcast_in_dim3A_268) -> (vector<16xf32>, vector<16xi32>)  : i32 {
        %parallel_loop3A_323 = arith.index_cast %parallel_loop3A_320 : i32 to index
        %parallel_loop3A_324 = tpu.vector_load %arg9[%parallel_loop3A_323] {strides = array<i32>} : memref<2048xf32, #tpu.memory_space<vmem>>, vector<16xf32>,
        %parallel_loop3A_325 = arith.index_cast %parallel_loop3A_320 : i32 to index
        %parallel_loop3A_326 = tpu.vector_load %arg10[%parallel_loop3A_325] {strides = array<i32>} : memref<2048xf32, #tpu.memory_space<vmem>>, vector<16xf32>,
        %parallel_loop3A_327 = arith.index_cast %parallel_loop3A_320 : i32 to index
        %parallel_loop3A_328 = tpu.vector_load %arg11[%parallel_loop3A_327] {strides = array<i32>} : memref<2048xf32, #tpu.memory_space<vmem>>, vector<16xf32>,
        %parallel_loop3A_329 = arith.index_cast %parallel_loop3A_320 : i32 to index
        %parallel_loop3A_330 = tpu.vector_load %arg12[%parallel_loop3A_329] {strides = array<i32>} : memref<2048xf32, #tpu.memory_space<vmem>>, vector<16xf32>,
        %parallel_loop3A_331 = arith.subf %parallel_loop3A_324, %gather3A_262 : vector<16xf32>
        %parallel_loop3A_332 = arith.subf %parallel_loop3A_326, %gather3A_263 : vector<16xf32>
        %parallel_loop3A_333 = arith.subf %parallel_loop3A_328, %gather3A_264 : vector<16xf32>
        %parallel_loop3A_334 = arith.mulf %parallel_loop3A_331, %parallel_loop3A_331 : vector<16xf32>
        %parallel_loop3A_335 = arith.mulf %parallel_loop3A_332, %parallel_loop3A_332 : vector<16xf32>
        %parallel_loop3A_336 = arith.addf %parallel_loop3A_334, %parallel_loop3A_335 : vector<16xf32>
        %parallel_loop3A_337 = arith.mulf %parallel_loop3A_333, %parallel_loop3A_333 : vector<16xf32>
        %parallel_loop3A_338 = arith.addf %parallel_loop3A_336, %parallel_loop3A_337 : vector<16xf32>
        %parallel_loop3A_339 = arith.minimumf %parallel_loop3A_330, %parallel_loop3A_338 : vector<16xf32>
        %parallel_loop3A_340 = arith.index_cast %parallel_loop3A_320 : i32 to index
        %parallel_loop3A_341 = tpu.vector_load %arg12[%parallel_loop3A_340] {strides = array<i32>} : memref<2048xf32, #tpu.memory_space<vmem>>, vector<16xf32>,
        tpu.vector_store %arg12[%parallel_loop3A_340], %parallel_loop3A_339 {strides = array<i32>} : memref<2048xf32, #tpu.memory_space<vmem>>, vector<16xf32>,
        %parallel_loop3A_342 = arith.cmpf ogt, %parallel_loop3A_339, %parallel_loop3A_321 : vector<16xf32>
        %parallel_loop3A_343 = arith.select %parallel_loop3A_342, %parallel_loop3A_339, %parallel_loop3A_321 : vector<16xi1>, vector<16xf32>
        %parallel_loop3A_344 = arith.addi %mul3A_58, %parallel_loop3A_320 : i32
        %parallel_loop3A_345 = vector.broadcast %parallel_loop3A_344 : i32 to vector<16xi32>
        %parallel_loop3A_346 = arith.addi %parallel_loop3A_345, %iota3A : vector<16xi32>
        %parallel_loop3A_347 = arith.select %parallel_loop3A_342, %parallel_loop3A_346, %parallel_loop3A_322 : vector<16xi1>, vector<16xi32>
        scf.yield %parallel_loop3A_343, %parallel_loop3A_347 : vector<16xf32>, vector<16xi32>
      } {sc.loop_unroll_factor = 8 : i64, sc.parallel_access}
      %reduce_max3A_273 = arith.constant true
      %reduce_max3A_274 = vector.broadcast %reduce_max3A_273 : i1 to vector<16xi1>
      %reduce_max3A_275 = tpu.scan <max>, %parallel_loop3A_272#0 masked %reduce_max3A_274 : vector<16xf32>, vector<16xi1> -> vector<16xf32>
      %reduce_max3A_276 = vector.extract %reduce_max3A_275[15] : f32 from vector<16xf32>
      %broadcast_in_dim3A_277 = vector.broadcast %reduce_max3A_276 : f32 to vector<16xf32>
      %eq3A_278 = arith.cmpf oeq, %parallel_loop3A_272#0, %broadcast_in_dim3A_277 : vector<16xf32>
      %convert_element_type3A_279 = arith.sitofp %parallel_loop3A_272#1 : vector<16xi32> to vector<16xf32>
      %jit3A_280 = arith.constant 3.000000e+38 : f32
      %broadcast_in_dim3A_281 = vector.broadcast %jit3A_280 : f32 to vector<16xf32>
      %select_n3A_282 = arith.select %eq3A_278, %convert_element_type3A_279, %broadcast_in_dim3A_281 : vector<16xi1>, vector<16xf32>
      %reduce_min3A_283 = arith.constant true
      %reduce_min3A_284 = vector.broadcast %reduce_min3A_283 : i1 to vector<16xi1>
      %reduce_min3A_285 = tpu.scan <min>, %select_n3A_282 masked %reduce_min3A_284 : vector<16xf32>, vector<16xi1> -> vector<16xf32>
      %reduce_min3A_286 = vector.extract %reduce_min3A_285[15] : f32 from vector<16xf32>
      %swap3A_287 = arith.constant 0 : index
      %swap3A_288 = tpu.vector_load %arg13[%swap3A_287] {strides = array<i32>} : memref<32xf32, #tpu.memory_space<vmem>>, vector<16xf32>,
      tpu.vector_store %arg13[%swap3A_287], %broadcast_in_dim3A_277 {strides = array<i32>} : memref<32xf32, #tpu.memory_space<vmem>>, vector<16xf32>,
      %broadcast_in_dim3A_289 = vector.broadcast %reduce_min3A_286 : f32 to vector<16xf32>
      %swap3A_290 = arith.constant 16 : index
      %swap3A_291 = tpu.vector_load %arg13[%swap3A_290] {strides = array<i32>} : memref<32xf32, #tpu.memory_space<vmem>>, vector<16xf32>,
      tpu.vector_store %arg13[%swap3A_290], %broadcast_in_dim3A_289 {strides = array<i32>} : memref<32xf32, #tpu.memory_space<vmem>>, vector<16xf32>,
      %mul3A_292 = arith.constant 32 : i32
      %mul3A_293 = arith.muli %arg1, %mul3A_292 : i32
      %add3A_294 = arith.constant 0 : i32
      %add3A_295 = arith.addi %add3A_294, %mul3A_293 : i32
      %dma_start3A_296 = tpu.memref_slice %arg19[%add3A_295] : memref<1024xf32, #tpu.memory_space<vmem_shared>> -> memref<32xf32, #tpu.memory_space<vmem_shared>>
      %dma_start3A_297 = tpu.memref_slice %arg19[%add3A_295] : memref<1024xf32, #tpu.memory_space<vmem_shared>> -> memref<32xf32, #tpu.memory_space<vmem_shared>>
      tpu.enqueue_dma source(%arg13 : memref<32xf32, #tpu.memory_space<vmem>>) target(%dma_start3A_297 : memref<32xf32, #tpu.memory_space<vmem_shared>>) target_semaphore(%arg21 : memref<!tpu.dma_semaphore, #tpu.memory_space<semaphore_mem>>)
      %mul3A_298 = arith.constant 3 : i32
      %mul3A_299 = arith.muli %mul3A_298, %add3A_231 : i32
      %add3A_300 = vector.broadcast %mul3A_299 : i32 to vector<16xi32>
      %add3A_301 = arith.addi %add3A_300, %iota3A : vector<16xi32>
      %eq3A_302 = arith.constant 0 : i32
      %eq3A_303 = vector.broadcast %eq3A_302 : i32 to vector<16xi32>
      %eq3A_304 = arith.cmpi eq, %iota3A, %eq3A_303 : vector<16xi32>
      %eq3A_305 = arith.constant 1 : i32
      %eq3A_306 = vector.broadcast %eq3A_305 : i32 to vector<16xi32>
      %eq3A_307 = arith.cmpi eq, %iota3A, %eq3A_306 : vector<16xi32>
      %select_n3A_308 = arith.select %eq3A_307, %gather3A_263, %gather3A_264 : vector<16xi1>, vector<16xf32>
      %select_n3A_309 = arith.select %eq3A_304, %gather3A_262, %select_n3A_308 : vector<16xi1>, vector<16xf32>
      %lt3A_310 = arith.constant 3 : i32
      %lt3A_311 = vector.broadcast %lt3A_310 : i32 to vector<16xi32>
      %lt3A_312 = arith.cmpi slt, %iota3A, %lt3A_311 : vector<16xi32>
      tpu.vector_store_idx %arg16[%add3A_301], %select_n3A_309 masked %lt3A_312 : memref<1536xf32, #tpu.memory_space<vmem>>[vector<16xi32>], vector<16xf32>, vector<16xi1>
      %broadcast_in_dim3A_313 = vector.broadcast %add3A_231 : i32 to vector<16xi32>
      %eq3A_314 = arith.constant 0 : i32
      %eq3A_315 = vector.broadcast %eq3A_314 : i32 to vector<16xi32>
      %eq3A_316 = arith.cmpi eq, %iota3A, %eq3A_315 : vector<16xi32>
      tpu.vector_store_idx %arg15[%broadcast_in_dim3A_313], %convert_element_type3A_261 masked %eq3A_316 : memref<512xi32, #tpu.memory_space<vmem>>[vector<16xi32>], vector<16xi32>, vector<16xi1>
      %dma_wait3A_317 = tpu.memref_slice %arg19[%add3A_295] : memref<1024xf32, #tpu.memory_space<vmem_shared>> -> memref<32xf32, #tpu.memory_space<vmem_shared>>
      %dma_wait3A_318 = tpu.memref_slice %arg19[%add3A_295] : memref<1024xf32, #tpu.memory_space<vmem_shared>> -> memref<32xf32, #tpu.memory_space<vmem_shared>>
      tpu.wait_dma2 semaphore(%arg21 : memref<!tpu.dma_semaphore, #tpu.memory_space<semaphore_mem>>) src(%arg13 : memref<32xf32, #tpu.memory_space<vmem>>) dst(%dma_wait3A_318 : memref<32xf32, #tpu.memory_space<vmem_shared>>)
      %barrier3A_319 = arith.constant 0 : index
      tpu.barrier barrier_id(%barrier3A_319)
    }
    %scan3A_124 = arith.constant 256 : i32
    %scan3A_125 = arith.constant 0 : i32
    %scan3A_126 = arith.constant 0 : i32
    %scan3A_127 = arith.constant 8 : i32
    %scan3A_128 = arith.addi %scan3A_126, %scan3A_127 : i32
    %scan3A_129 = arith.constant 1 : i32
    scf.for %scan3A_143 = %scan3A_126 to %scan3A_128 step %scan3A_129  : i32 {
      %mul3A_144 = arith.constant 128 : i32
      %mul3A_145 = arith.muli %select_n3A_30, %mul3A_144 : i32
      %mul3A_146 = arith.constant 16 : i32
      %mul3A_147 = arith.muli %scan3A_143, %mul3A_146 : i32
      %add3A_148 = arith.addi %mul3A_145, %mul3A_147 : i32
      %get3A = arith.index_cast %add3A_148 : i32 to index
      %get3A_149 = tpu.vector_load %arg15[%get3A] {strides = array<i32>} : memref<512xi32, #tpu.memory_space<vmem>>, vector<16xi32>,
      %mul3A_150 = arith.constant 8192 : i32
      %mul3A_151 = arith.muli %add3A, %mul3A_150 : i32
      %add3A_152 = vector.broadcast %mul3A_151 : i32 to vector<16xi32>
      %add3A_153 = arith.addi %get3A_149, %add3A_152 : vector<16xi32>
      %mul3A_154 = arith.constant 16 : i32
      %mul3A_155 = arith.muli %scan3A_143, %mul3A_154 : i32
      %swap3A_156 = arith.index_cast %mul3A_155 : i32 to index
      %swap3A_157 = tpu.vector_load %arg17[%swap3A_156] {strides = array<i32>} : memref<128xi32, #tpu.memory_space<vmem>>, vector<16xi32>,
      tpu.vector_store %arg17[%swap3A_156], %add3A_153 {strides = array<i32>} : memref<128xi32, #tpu.memory_space<vmem>>, vector<16xi32>,
    }
    %scan3A_130 = arith.constant 8 : i32
    %dma_start3A = arith.constant 0 : i32
    %dma_start3A_131 = arith.constant 0 : i32
    %dma_start3A_132 = tpu.memref_slice %arg3[%dma_start3A, %dma_start3A_131] : memref<65536x256xf32, #tpu.memory_space<hbm>> -> memref<65536x256xf32, #tpu.memory_space<hbm>>
    tpu.enqueue_indirect_dma source(%dma_start3A_132 : memref<65536x256xf32, #tpu.memory_space<hbm>>) target(%arg18 : memref<128x256xf32, #tpu.memory_space<vmem>>) offsets(%arg17 : memref<128xi32, #tpu.memory_space<vmem>>) semaphore(%arg20 : memref<!tpu.dma_semaphore, #tpu.memory_space<semaphore_mem>>)
    %dma_wait3A = arith.constant 0 : i32
    %dma_wait3A_133 = arith.constant 0 : i32
    %dma_wait3A_134 = tpu.memref_slice %arg3[%dma_wait3A, %dma_wait3A_133] : memref<65536x256xf32, #tpu.memory_space<hbm>> -> memref<65536x256xf32, #tpu.memory_space<hbm>>
    tpu.wait_indirect_dma semaphore(%arg20 : memref<!tpu.dma_semaphore, #tpu.memory_space<semaphore_mem>>) src(%dma_wait3A_134 : memref<65536x256xf32, #tpu.memory_space<hbm>>) dst(%arg18 : memref<128x256xf32, #tpu.memory_space<vmem>>)
    %mul3A_135 = arith.constant 512 : i32
    %mul3A_136 = arith.muli %add3A, %mul3A_135 : i32
    %mul3A_137 = arith.constant 128 : i32
    %mul3A_138 = arith.muli %select_n3A_30, %mul3A_137 : i32
    %add3A_139 = arith.addi %mul3A_136, %mul3A_138 : i32
    "tpu.region"() ({
      %run_scoped3A = tpu.sem_alloc : memref<!tpu.dma_semaphore, #tpu.memory_space<semaphore_mem>>
      %dma_start3A_143 = arith.constant 0 : i32
      %dma_start3A_144 = tpu.memref_slice %arg5[%add3A_139, %dma_start3A_143] : memref<4096x256xf32, #tpu.memory_space<hbm>> -> memref<128x256xf32, #tpu.memory_space<hbm>>
      %dma_start3A_145 = arith.constant 0 : i32
      %dma_start3A_146 = tpu.memref_slice %arg5[%add3A_139, %dma_start3A_145] : memref<4096x256xf32, #tpu.memory_space<hbm>> -> memref<128x256xf32, #tpu.memory_space<hbm>>
      tpu.enqueue_dma source(%arg18 : memref<128x256xf32, #tpu.memory_space<vmem>>) target(%dma_start3A_146 : memref<128x256xf32, #tpu.memory_space<hbm>>) target_semaphore(%run_scoped3A : memref<!tpu.dma_semaphore, #tpu.memory_space<semaphore_mem>>)
      %dma_wait3A_147 = arith.constant 0 : i32
      %dma_wait3A_148 = tpu.memref_slice %arg5[%add3A_139, %dma_wait3A_147] : memref<4096x256xf32, #tpu.memory_space<hbm>> -> memref<128x256xf32, #tpu.memory_space<hbm>>
      %dma_wait3A_149 = arith.constant 0 : i32
      %dma_wait3A_150 = tpu.memref_slice %arg5[%add3A_139, %dma_wait3A_149] : memref<4096x256xf32, #tpu.memory_space<hbm>> -> memref<128x256xf32, #tpu.memory_space<hbm>>
      tpu.wait_dma2 semaphore(%run_scoped3A : memref<!tpu.dma_semaphore, #tpu.memory_space<semaphore_mem>>) src(%arg18 : memref<128x256xf32, #tpu.memory_space<vmem>>) dst(%dma_wait3A_150 : memref<128x256xf32, #tpu.memory_space<hbm>>)
      tpu.yield
    }) : () -> ()
    %eq3A_140 = arith.constant 0 : i32
    %eq3A_141 = arith.cmpi eq, %select_n3A_30, %eq3A_140 : i32
    %convert_element_type3A = arith.extui %eq3A_141 : i1 to i32
    %cond3A = arith.constant 0 : i32
    %cond3A_142 = arith.cmpi ne, %convert_element_type3A, %cond3A : i32
    scf.if %cond3A_142 {
      %mul3A_143 = arith.constant 512 : i32
      %mul3A_144 = arith.muli %add3A, %mul3A_143 : i32
      %mul3A_145 = arith.constant 3 : i32
      %mul3A_146 = arith.muli %mul3A_144, %mul3A_145 : i32
      "tpu.region"() ({
        %run_scoped3A = tpu.sem_alloc : memref<!tpu.dma_semaphore, #tpu.memory_space<semaphore_mem>>
        %dma_start3A_147 = tpu.memref_slice %arg4[%mul3A_146] : memref<12288xf32, #tpu.memory_space<hbm>> -> memref<1536xf32, #tpu.memory_space<hbm>>
        %dma_start3A_148 = tpu.memref_slice %arg4[%mul3A_146] : memref<12288xf32, #tpu.memory_space<hbm>> -> memref<1536xf32, #tpu.memory_space<hbm>>
        tpu.enqueue_dma source(%arg16 : memref<1536xf32, #tpu.memory_space<vmem>>) target(%dma_start3A_148 : memref<1536xf32, #tpu.memory_space<hbm>>) target_semaphore(%run_scoped3A : memref<!tpu.dma_semaphore, #tpu.memory_space<semaphore_mem>>)
        %dma_wait3A_149 = tpu.memref_slice %arg4[%mul3A_146] : memref<12288xf32, #tpu.memory_space<hbm>> -> memref<1536xf32, #tpu.memory_space<hbm>>
        %dma_wait3A_150 = tpu.memref_slice %arg4[%mul3A_146] : memref<12288xf32, #tpu.memory_space<hbm>> -> memref<1536xf32, #tpu.memory_space<hbm>>
        tpu.wait_dma2 semaphore(%run_scoped3A : memref<!tpu.dma_semaphore, #tpu.memory_space<semaphore_mem>>) src(%arg16 : memref<1536xf32, #tpu.memory_space<vmem>>) dst(%dma_wait3A_150 : memref<1536xf32, #tpu.memory_space<hbm>>)
        tpu.yield
      }) : () -> ()
    } else {
    }
    return
  }
}

</mosaic_0001>

<sc_bundles>
// kernel: kernel.3.cloned.1.call-start
scs
__scs_entry_jumppad:
0x0: {  	(pc) =	sbr.rel $0x88, $3  }
0x1: {  	(tag) =	ssettag $0x0;
	lr =	simm.s32 $0x1  }
0x2: {  	[smem:$0x3F9F] =	sst lr;
	_ =	strace $0xD0000000  }
0x3: {  	_ = 	snop  }
0x4: {  	_ = 	snop  }
0x5: {  	_ = 	snop  }
0x6: {  	_ = 	snop  }
0x7: {  	_ = 	snop  }
__scs_overlays_trampoline_lowered:
0x8: {  	[smem:$0x3FAE] =	sst s0  }
0x9: {  	[smem:$0x3FAF] =	sst s1  }
0xa: {  	[smem:$0x3FB0] =	sst s2  }
0xb: {  	[smem:$0x3FB1] =	sst s3  }
0xc: {  	[smem:$0x3FB2] =	sst s4  }
0xd: {  	[smem:$0x3FB3] =	sst s5  }
0xe: {  	[smem:$0x3FB4] =	sst s6  }
0xf: {  	[smem:$0x3FB5] =	sst s7  }
0x10: {  	[smem:$0x3FB6] =	sst s8  }
0x11: {  	[smem:$0x3FB7] =	sst s9;
	s0 =	simm.s32 @!p0 $0x0  }
0x12: {  	s1 =	sld [smem:$0x3F9D];
	s0 =	simm.s32 @p0 $0x1  }
0x13: {  	[smem:$0x3FB8] =	sst s0;
	s0 =	simm.s32 @!p1 $0x0  }
0x14: {  	s2 =	sld [smem:$0x3F9C];
	s0 =	simm.s32 @p1 $0x1  }
0x15: {  	[smem:$0x3FB9] =	sst s0;
	s0 =	simm.s32 @!p2 $0x0  }
0x16: {  	s3 =	sld [smem:$0x3FDB];
	s0 =	simm.s32 @p2 $0x1  }
0x17: {  	s4 =	simm.s32 $0x1BF5;
	[smem:$0x3FBB] =	sst s0  }
0x18: {  	s0 =	sld [smem:$0x3F9E];
	_ =	swait.ge [sflag:s4], $0x0  }
0x19: {  	s7 =	sld [smem:$0x3F9F]  }
0x1a: {  	s8 =	sadd.s32 $0xFFFFE003, lr  }
0x1b: {  	s9 =	sadd.s32 $0xFFFFFEF7, lr;
	s5 =	simm.s32 $0xFFFFFFFF;
	p2 =	slt.u32 s8, $0xFFFFF086  }
0x1c: {  	p1 =	slt.u32 s9, $0xF7A;
	s5 =	simm.s32 @!p2 $0x0  }
0x1d: {  	s5 =	simm.s32 @p1 $0x1;
	p0 =	seq.s32 s7, s2  }
0x1e: {  	s7 =	smul.u32 @!p0 $0xF7A, s2;
	p2 =	seq.s32 @!p0 s5, $0x0  }
0x1f: {  	s9 =	smul.u32 $0xF7A, s1;
	s8 =	simm.s32 @!p0 $0x1BF5;
	p2 =	por !p2, p0  }
0x20: {  	[sflag:s8] =	ssyncset.s32 @!p0 $0xFFFFF086;
	s6 =	sadd.s32 @!p0 s3, s7;
	s7 =	simm.s32 @!p0 $0x108  }
0x21: {  	s3 =	sadd.s32 s3, s9;
	s6 =	sadd.s32 @!p0 $0x88, s6;
	s7 =	simm.s32 @p2 $0x1082  }
0x22: {  	[simem:s7], [sflag:s8] =	dma.local @!p0 [hbm:s6], $0xF7A  }
0x23: {  	s9 =	sor.u32 $0xD0000000, s2;
	s6 =	simm.s32 $0x108;
	_ =	swait.ge @!p0 [sflag:s8], $0x0  }
0x24: {  	s3 =	sadd.s32 $0x88, s3;
	s6 =	simm.s32 @!p1 $0x1082;
	[sflag:s4] =	ssyncset.s32 $0xFFFFF086  }
0x25: {  	[simem:s6], [sflag:s4] =	dma.local [hbm:s3], $0xF7A  }
0x26: {  	[smem:$0x3F9F] =	sst s1;
	(tag) =	ssettag s2;
	_ =	strace s9  }
0x27: {  	s1 =	sld [smem:$0x3FAF]  }
0x28: {  	s2 =	sld [smem:$0x3FB0]  }
0x29: {  	s4 =	sld [smem:$0x3FB2]  }
0x2a: {  	p0 =	seq.s32 s5, $0x0;
	s5 =	sld [smem:$0x3FB3]  }
0x2b: {  	s6 =	sld [smem:$0x3FB4]  }
0x2c: {  	s7 =	sld [smem:$0x3FB5]  }
0x2d: {  	s3 =	simm.s32 $0x108;
	s8 =	sld [smem:$0x3FB6]  }
0x2e: {  	s3 =	simm.s32 @!p0 $0x1082;
	s9 =	sld [smem:$0x3FB7]  }
0x2f: {  	lr =	sadd.s32 s0, s3;
	s0 =	sld [smem:$0x3FAE]  }
0x30: {  	s3 =	sld [smem:$0x3FB1]  }
0x31: {  	[smem:$0x3FBA] =	sst s10  }
0x32: {  	s10 =	sld [smem:$0x3FB8];
	_ =	sdelay $0x3  }
0x33: {  	p0 =	seq.s32 s10, $0x1;
	s10 =	sld [smem:$0x3FBA];
	_ =	sdelay $0x3  }
0x34: {  	[smem:$0x3FBA] =	sst s10  }
0x35: {  	s10 =	sld [smem:$0x3FB9];
	_ =	sdelay $0x3  }
0x36: {  	p1 =	seq.s32 s10, $0x1;
	s10 =	sld [smem:$0x3FBA];
	_ =	sdelay $0x3  }
0x37: {  	[smem:$0x3FBA] =	sst s10  }
0x38: {  	s10 =	sld [smem:$0x3FBB]  }
0x39: {  	_ = 	snop;
	(pc) =	sbr.ind lr, $3  }
0x3a: {  	_ = 	snop  }
0x3b: {  	_ = 	snop  }
0x3c: {  	p2 =	seq.s32 s10, $0x1;
	s10 =	sld [smem:$0x3FBA]  }
0x3d: {  	_ =	shalt  }
0x3e: {  	_ =	shalt  }
0x3f: {  	_ =	shalt  }
0x40: {  	_ =	shalt  }
0x41: {  	_ =	shalt  }
0x42: {  	_ =	shalt  }
0x43: {  	_ =	shalt  }
0x44: {  	_ =	shalt  }
0x45: {  	_ =	shalt  }
0x46: {  	_ =	shalt  }
0x47: {  	_ =	shalt  }
0x48: {  	_ =	shalt  }
0x49: {  	_ =	shalt  }
0x4a: {  	_ =	shalt  }
0x4b: {  	_ =	shalt  }
0x4c: {  	_ =	shalt  }
0x4d: {  	_ =	shalt  }
0x4e: {  	_ =	shalt  }
0x4f: {  	_ =	shalt  }
0x50: {  	_ =	shalt  }
0x51: {  	_ =	shalt  }
0x52: {  	_ =	shalt  }
0x53: {  	_ =	shalt  }
0x54: {  	_ =	shalt  }
0x55: {  	_ =	shalt  }
0x56: {  	_ =	shalt  }
0x57: {  	_ =	shalt  }
0x58: {  	_ =	shalt  }
0x59: {  	_ =	shalt  }
0x5a: {  	_ =	shalt  }
0x5b: {  	_ =	shalt  }
0x5c: {  	_ =	shalt  }
0x5d: {  	_ =	shalt  }
0x5e: {  	_ =	shalt  }
0x5f: {  	_ =	shalt  }
0x60: {  	_ =	shalt  }
0x61: {  	_ =	shalt  }
0x62: {  	_ =	shalt  }
0x63: {  	_ =	shalt  }
0x64: {  	_ =	shalt  }
0x65: {  	_ =	shalt  }
0x66: {  	_ =	shalt  }
0x67: {  	_ =	shalt  }
0x68: {  	_ =	shalt  }
0x69: {  	_ =	shalt  }
0x6a: {  	_ =	shalt  }
0x6b: {  	_ =	shalt  }
0x6c: {  	_ =	shalt  }
0x6d: {  	_ =	shalt  }
0x6e: {  	_ =	shalt  }
0x6f: {  	_ =	shalt  }
0x70: {  	_ =	shalt  }
0x71: {  	_ =	shalt  }
0x72: {  	_ =	shalt  }
0x73: {  	_ =	shalt  }
0x74: {  	_ =	shalt  }
0x75: {  	_ =	shalt  }
0x76: {  	_ =	shalt  }
0x77: {  	_ =	shalt  }
0x78: {  	_ =	shalt  }
0x79: {  	_ =	shalt  }
0x7a: {  	_ =	shalt  }
0x7b: {  	_ =	shalt  }
0x7c: {  	_ =	shalt  }
0x7d: {  	_ =	shalt  }
0x7e: {  	_ =	shalt  }
0x7f: {  	_ =	shalt  }
0x80: {  	_ =	shalt  }
0x81: {  	_ =	shalt  }
0x82: {  	_ =	shalt  }
0x83: {  	_ =	shalt  }
0x84: {  	_ =	shalt  }
0x85: {  	_ =	shalt  }
0x86: {  	_ =	shalt  }
0x87: {  	_ =	shalt  }
.Lfunc_end0:
.L_simem_size_0:
called_computation_lowered:
.L_overlay_start_0:
0x88: {  	s2 =	sld [smem:$0x3FD9]  }
0x89: {  	s3 =	sld [smem:$0x3FFE];
	_ =	sdelay $0x1  }
0x8a: {  	s1 =	srdreg.scid  }
0x8b: {  	s0 =	sand.u32 $0x1, s1  }
0x8c: {  	s14 =	sshll.u32 s0, $0xA;
	s2 =	sadd.s32 s3, s2  }
0x8d: {  	s2 =	sadd.s32 s2, s14  }
0x8e: {  	[smem:$0x3FC6] =	sst s2  }
0x8f: {  	_ = 	snop  }
0x90: {  	s2 =	sld [smem:$0x3FD0];
	_ =	sdelay $0x2  }
0x91: {  	s4 =	simm.s32 $0xA;
	s5 =	simm.s32 $0x10;
	s15 =	sld [smem:$0x3FC8]  }
0x92: {  	[smem:s5], [sflag:s4] =	dma.local [hbm:s2], $0x1  }
0x93: {  	_ =	swait.eq [sflag:s4], $0x1  }
0x94: {  	[sflag:s4] =	ssyncset.done $0x0  }
0x95: {  	s16 =	sld [smem:$0x10];
	[sflag:s4] =	ssyncadd.s32 $0xFFFFFFFF  }
0x96: {  	s17 =	sld [smem:$0x11];
	(tm) =	ssettm $0x1  }
0x97: {  	s18 =	sld [smem:$0x3FFB];
	_ =	sdelay $0x3  }
0x98: {  	_ =	strace s18  }
0x99: {  	s5 =	sld [smem:$0x3FFC];
	_ =	sdelay $0x3  }
0x9a: {  	_ =	strace s5  }
0x9b: {  	s5 =	sld [smem:$0x3FFD];
	_ =	sdelay $0x3  }
0x9c: {  	_ =	strace s5  }
0x9d: {  	_ =	strace $0x8FFFFFFF  }
0x9e: {  	s19 =	sld [smem:$0x3FDB];
	_ =	sdelay $0x1  }
0x9f: {  	s6 =	simm.s32 $_scs_section_size  }
0xa0: {  	s7 =	simm.s32 $_size__tile_overlayer_lowered;
	s8 =	simm.s32 $_tile_overlayer_lowered  }
0xa1: {  	s22 =	simm.s32 $0x1BFF;
	s21 =	sshll.u32 s8, $0x1;
	s5 =	sadd.s32 s6, s19  }
0xa2: {  	s9 =	simm.s32 $0x0;
	s20 =	sshll.u32 s7, $0x1;
	s7 =	sadd.s32 s21, s5  }
0xa3: {  	[timem:s9], [sflag:s22] =	dma.local [hbm:s7], s20  }
0xa4: {  	_ =	swait.ge [sflag:s22], s20  }
0xa5: {  	s6 =	ssub.s32 $0x0, s20;
	[sflag:s22] =	ssyncset.done $0x0  }
0xa6: {  	[sflag:s22] =	ssyncadd.s32 s6;
	_ =	sdelay $0x1  }
0xa7: {  	s23 =	simm.s32 $0x1B8B  }
0xa8: {  	_ =	swait.ge [sflag:s23], $0x1  }
0xa9: {  	[sflag:s23] =	ssyncset.done $0x0  }
0xaa: {  	s25 =	simm.s32 $0x1B8E;
	s24 =	sld [smem:$0x3FFE];
	[sflag:s23] =	ssyncadd.s32 $0xFFFFFFFF  }
0xab: {  	s26 =	simm.s32 $execute0_lowered;
	[smem:$0x3FD2] =	sst s25  }
0xac: {  	s7 =	sshll.u32 s26, $0x1;
	_ =	strace $0x80000046;
	[dreg:$0x1] =	wrdreg $0xFFFFFFFF  }
0xad: {  	s28 =	simm.s32 $_size_execute0_lowered;
	s5 =	sadd.s32 s5, s7;
	[dreg:$0x0] =	wrdreg $0x0  }
0xae: {  	s7 =	sshll.u32 s28, $0x1;
	[dreg:$0x2] =	wrdreg s5  }
0xaf: {  	[dreg:$0x3] =	wrdreg s7  }
0xb0: {  	[dreg:$0x4] =	wrdreg $0xC0  }
0xb1: {  	_ =	task [dreg:s9], $0x5FFFF  }
0xb2: {  	[dreg:$0x1] =	wrdreg $0xFFFFFFFF  }
0xb3: {  	[dreg:$0x0] =	wrdreg $0x60  }
0xb4: {  	[dreg:$0x2] =	wrdreg s24  }
0xb5: {  	[dreg:$0x3] =	wrdreg s15  }
0xb6: {  	[dreg:$0x4] =	wrdreg s16  }
0xb7: {  	[dreg:$0x5] =	wrdreg s17  }
0xb8: {  	[dreg:$0x6] =	wrdreg $0x109800  }
0xb9: {  	[dreg:$0x7] =	wrdreg $0x9  }
0xba: {  	_ =	task.clear_ibuf [dreg:s9], $0x8FFFF;
	_ =	strace $0x90000046  }
0xbb: {  	s29 =	simm.s32 $0x9;
	_ =	strace $0x80000048  }
0xbc: {  	_ =	swait.ge [sflag:s29], $0x1  }
0xbd: {  	[sflag:s29] =	ssyncadd.s32 $0xFFFFFFFF  }
0xbe: {  	_ =	strace $0x90000048  }
0xbf: {  	_ =	sfence  }
0xc0: {  	s30 =	sld [smem:$0x0];
	_ =	sdelay $0x2  }
0xc1: {  	s31 =	sshll.u32 s1, $0xD;
	s1 =	sshrl.u32 s1, $0x2  }
0xc2: {  	s3 =	sand.u32 $0x4000, s31;
	s1 =	sadd.s32 s1, s30  }
0xc3: {  	s0 =	sor.u32 s3, s0;
	s1 =	sshll.u32 s1, $0x11  }
0xc4: {  	s0 =	sor.u32 s1, s0  }
0xc5: {  	s0 =	sadd.s32 $0x8F2B, s0  }
0xc6: {  	[sflag:s0] =	ssyncadd.remote.s32 $0x1  }
0xc7: {  	_ =	sfence.sel $0xFFFF  }
0xc8: {  	[dreg:$0x0] =	wrdreg $0xFFFFFFFF;
	(pc) =	sbr.abs _section_cstart, $3  }
0xc9: {  	[dreg:$0x1] =	wrdreg $0xFFFFFFFF  }
0xca: {  	_ =	task.clear_ibuf [dreg:s9], $0x2FFFF;
	_ =	strace $0x9FFFFFFF  }
0xcb: {  	(tm) =	ssettm $0x7FFFFFFF  }
tec
execute0_lowered:
.L_overlay_start_1:
0x0: {  	(tag) =	ssettag $0x1  }
0x1: {  	s0 =	rddreg [dreg:$0x0]  }
0x2: {  	s1 =	rddreg [dreg:$0x1]  }
0x3: {  	s2 =	rddreg [dreg:$0x2]  }
0x4: {  	s5 =	rddreg [dreg:$0x3]  }
0x5: {  	s6 =	rddreg [dreg:$0x4]  }
0x6: {  	s3 =	srdreg.scid;
	s16 =	stileid.u32  }
0x7: {  	s19 =	simm.s32 $0x3;
	s28 =	simm.s32 $0x8300;
	s29 =	simm.s32 $0x8100  }
0x8: {  	s30 =	simm.s32 $0x2;
	s4 =	sand.u32 $0x1, s3;
	s3 =	simm.s32 $0x0  }
0x9: {  	s8 =	sshrl.u32 s16, $0x2;
	s0 =	sadd.s32 $0x800, s0;
	s22 =	sand.u32 $0x3, s16  }
0xa: {  	s24 =	sshll.u32 s16, $0x5;
	s7 =	sshll.u32 s4, $0x2;
	[smem:$0x7FF] =	sst s3  }
0xb: {  	s4 =	ssub.s32 $0x2, s4;
	p0 =	seq.s32 s22, $0x0;
	s25 =	sshll.u32 s22, $0xC  }
0xc: {  	s7 =	sor.u32 s8, s7;
	_ =	strace $0x80000047;
	s9 =	sshrl.u32 s4, $0x1  }
0xd: {  	s8 =	sshll.u32 s8, $0x7;
	s10 =	smul.u32 $0x6000, s7;
	s9 =	ssub.s32 s4, s9  }
0xe: {  	s4 =	sshll.u32 s22, $0xB;
	s26 =	smul.u32 $0xC0, s7;
	s31 =	sshll.u32 s7, $0xD  }
0xf: {  	s7 =	sshll.u32 s7, $0xE;
	s18 =	smax.u32 s9, $0x1;
	s11 =	sadd.s32 $0x2000, s10  }
0x10: {  	s12 =	sadd.s32 $0x4000, s10;
	s13 =	sshrl.u32 s10, $0x3;
	s10 =	sor.u32 s4, s10  }
0x11: {  	s17 =	sadd.s32 s2, s26;
	s26 =	simm.s32 $0x8080;
	s2 =	simm.s32 $0x0  }
0x12: {  	s14 =	sshrl.u32 s11, $0x3;
	s15 =	sshrl.u32 s12, $0x3;
	s13 =	sadd.s32 s0, s13  }
0x13: {  	s11 =	sor.u32 s4, s11;
	s12 =	sor.u32 s4, s12;
	s10 =	sshrl.u32 s10, $0x3  }
0x14: {  	[dreg:$0x6] =	wrdreg s13;
	s20 =	sadd.s32 s0, s14;
	s21 =	sadd.s32 s0, s15  }
0x15: {  	s11 =	sshrl.u32 s11, $0x3;
	s12 =	sshrl.u32 s12, $0x3;
	[dreg:$0x7] =	wrdreg s20  }
0x16: {  	s10 =	sadd.s32 s0, s10;
	s15 =	sshll.u32 s22, $0x7;
	[dreg:$0x8] =	wrdreg s21  }
0x17: {  	[dreg:$0x9] =	wrdreg s10;
	s23 =	sadd.s32 s0, s11;
	s0 =	sadd.s32 s0, s12  }
0x18: {  	s11 =	sadd.s32 s24, s6;
	s12 =	sadd.s32 s8, s6;
	[dreg:$0xa] =	wrdreg s23  }
0x19: {  	s20 =	simm.s32 $0x2000;
	s21 =	simm.s32 $0x4000;
	[dreg:$0xb] =	wrdreg s0  }
0x1a: {  	v2 =	vimm.f32 $1.000000000e+10;
	s23 =	simm.f32 $1.000000000e+00;
	s13 =	sadd.s32 $0x200, s11;
	s14 =	sadd.s32 $0x200, s12  }
0x1b: {  	v3 =	vimm.f32 $0.0e+00;
	v4 =	vlaneseq.u32;
	vm0 =	vcmask $0x3F08;
	s0 =	sadd.s32 s5, s25;
	s25 =	simm.s32 $0x8000;
	s23 =	simm.s32 @!p0 $0xBF800000  }
0x1c: {  	vm1 =	vmmov $0x1;
	v1 =	vmov s31;
	s16 =	sadd.s32 s7, s0;
	p0 =	sne.s32 s22, $0x0;
	s0 =	simm.s32 $0x1;
	v0 =	vmov s23  }
.LBB2_1:
0x1d: {  	s5 =	rddreg [dreg:$0x6]  }
0x1e: {  	[tilespmem:s3], [sflag:$0x3] =	stream.linear.gather [hbm4b:s5+s3], $0x2000, $0x38;
	[tilespmem:$0x109C0] =	vst v63  }
0x1f: {  	_ =	swait.ge [sflag:s19], $0x2000  }
0x20: {  	[sflag:s19] =	ssyncset.done $0x0  }
0x21: {  	s8 =	rddreg [dreg:$0x7];
	[sflag:s19] =	ssyncadd.s32 $0xFFFFE000  }
0x22: {  	[tilespmem:s20], [sflag:$0x3] =	stream.linear.gather [hbm4b:s8+s3], $0x2000, $0x38;
	[tilespmem:$0x109C0] =	vst v63  }
0x23: {  	_ =	swait.ge [sflag:s19], $0x2000  }
0x24: {  	[sflag:s19] =	ssyncset.done $0x0  }
0x25: {  	s9 =	rddreg [dreg:$0x8];
	[sflag:s19] =	ssyncadd.s32 $0xFFFFE000  }
0x26: {  	[tilespmem:s21], [sflag:$0x3] =	stream.linear.gather [hbm4b:s9+s3], $0x2000, $0x38;
	[tilespmem:$0x109C0] =	vst v63  }
0x27: {  	_ =	swait.ge [sflag:s19], $0x2000  }
0x28: {  	[sflag:s19] =	ssyncset.done $0x0  }
0x29: {  	s6 =	simm.s32 $0x6000;
	s10 =	rddreg [dreg:$0x9];
	[sflag:s19] =	ssyncadd.s32 $0xFFFFE000  }
0x2a: {  	[tilespmem:s6], [sflag:$0x3] =	stream.linear.gather [hbm4b:s10+s3], $0x800, $0x38;
	[tilespmem:$0x109C0] =	vst v63  }
0x2b: {  	_ =	swait.ge [sflag:s19], $0x800  }
0x2c: {  	[sflag:s19] =	ssyncset.done $0x0  }
0x2d: {  	s23 =	simm.s32 $0x6800;
	s22 =	rddreg [dreg:$0xa];
	[sflag:s19] =	ssyncadd.s32 $0xFFFFF800  }
0x2e: {  	[tilespmem:s23], [sflag:$0x3] =	stream.linear.gather [hbm4b:s22+s3], $0x800, $0x38;
	[tilespmem:$0x109C0] =	vst v63  }
0x2f: {  	_ =	swait.ge [sflag:s19], $0x800  }
0x30: {  	[sflag:s19] =	ssyncset.done $0x0  }
0x31: {  	s31 =	simm.s32 $0x7000;
	s24 =	rddreg [dreg:$0xb];
	[sflag:s19] =	ssyncadd.s32 $0xFFFFF800  }
0x32: {  	[tilespmem:s31], [sflag:$0x3] =	stream.linear.gather [hbm4b:s24+s3], $0x800, $0x38;
	[tilespmem:$0x109C0] =	vst v63  }
0x33: {  	_ =	swait.ge [sflag:s19], $0x800  }
0x34: {  	[sflag:s19] =	ssyncset.done $0x0  }
0x35: {  	s5 =	simm.s32 $0x40;
	s6 =	simm.s32 $0x0;
	[sflag:s19] =	ssyncadd.s32 $0xFFFFF800  }
.LBB2_2:
0x36: {  	p1 =	sne.s32 s5, $0x1FC0;
	[tilespmem:s6+$0x7800] =	vst v2;
	s6 =	smov.u32 s5;
	s5 =	sadd.s32 $0x40, s5  }
.Ltmp0:
0x37: {  	(pc) =	sbr.rel @p1 .LBB2_2-.Ltmp0, $2  }
0x38: {  	_ =	sdelay $0x2  }
0x39: {  	s6 =	sshra.s32 s6, $0x2  }
0x3a: {  	[tilespmem:s6+$0x7800] =	vst v2  }
0x3b: {  	[tilespmem:$0x8000] =	vst v0  }
0x3c: {  	[tilespmem:$0x8010] =	vst v3  }
0x3d: {  	[spmem:s11] =	stream.linear.scatter [tilespmem:s25], [sflag:$0x3], $0x20, $0x38;
	[tilespmem:$0x109C0] =	vst v63  }
0x3e: {  	_ =	swait.ge [sflag:s19], $0x20  }
0x3f: {  	[sflag:s19] =	ssyncset.done $0x0  }
0x40: {  	[sflag:s19] =	ssyncadd.s32 $0xFFFFFFE0  }
0x41: {  	s22 =	simm.s32 $0x0;
	[bflag:$0x0] =	sbarrier.arrive $0xFFFF  }
.LBB2_4:
0x42: {  	[tilespmem:s26], [sflag:$0x3] =	stream.linear.gather [spmem:s12], $0x80, $0x38;
	[tilespmem:$0x109C0] =	vst v63  }
0x43: {  	_ =	swait.ge [sflag:s19], $0x80  }
0x44: {  	[sflag:s19] =	ssyncset.done $0x0  }
0x45: {  	[sflag:s19] =	ssyncadd.s32 $0xFFFFFF80  }
0x46: {  	v5 =	vld [tilespmem:$0x8080]  }
0x47: {  	v6 =	vld [tilespmem:$0x8090]  }
0x48: {  	v7 =	vld [tilespmem:$0x80A0]  }
0x49: {  	v8 =	vld [tilespmem:$0x80B0]  }
0x4a: {  	v9 =	vld [tilespmem:$0x80C0]  }
0x4b: {  	v10 =	vld [tilespmem:$0x80D0]  }
0x4c: {  	v11 =	vld [tilespmem:$0x80E0]  }
0x4d: {  	v12 =	vld [tilespmem:$0x80F0];
	vm2 =	vgt.f32 v7, v5  }
0x4e: {  	s6 =	simm.s32 $0x7040;
	v5 =	vsel vm2, v7, v5  }
0x4f: {  	s24 =	simm.s32 $0x6040;
	v13 =	vld [tilespmem:s6+$0x10];
	vm3 =	vgt.f32 v9, v5  }
0x50: {  	s5 =	simm.s32 $0x6840;
	v14 =	vld [tilespmem:s24+$0x20];
	v6 =	vsel vm2, v8, v6;
	v5 =	vsel vm3, v9, v5  }
0x51: {  	v15 =	vld [tilespmem:s5+$0x20];
	v6 =	vsel vm3, v10, v6;
	vm2 =	vgt.f32 v11, v5  }
0x52: {  	v16 =	vld [tilespmem:s6+$0x0];
	v5 =	vsel vm2, v12, v6  }
0x53: {  	v17 =	vld [tilespmem:s24+$0x10];
	v5 =	vtrunc.f32 v5  }
0x54: {  	v18 =	vld [tilespmem:s5+$0x10];
	v5 =	vcvt.f32.s32 v5  }
0x55: {  	v19 =	vld [tilespmem:s6+$0xFFFFFFF0]  }
0x56: {  	v9 =	vld [tilespmem:s6+$0x30]  }
0x57: {  	v10 =	vld [tilespmem:s6+$0x20]  }
0x58: {  	v11 =	vld [tilespmem:s24+$0x30]  }
0x59: {  	v12 =	vld [tilespmem:s5+$0x30]  }
0x5a: {  	v8 =	vld.idx.msk [tilespmem:v5+s21+$0x0], $0xffff  }
0x5b: {  	v6 =	vld.idx.msk [tilespmem:v5+s3+$0x0], $0xffff  }
0x5c: {  	v7 =	vld.idx.msk [tilespmem:v5+s20+$0x0], $0xffff  }
0x5d: {  	v20 =	vld [tilespmem:s24+$0x0]  }
0x5e: {  	v28 =	vimm.f32 $-1.000000000e+00;
	s23 =	sadd.s32 $0xFFFFFF80, s4;
	v21 =	vld [tilespmem:s5+$0x0]  }
0x5f: {  	v30 =	vimm.s32 $0x0;
	s31 =	sadd.s32 $0x80, s23;
	v24 =	vld [tilespmem:s6+$0xFFFFFFE0];
	v22 =	vsub.f32 v10, v8;
	v23 =	vsub.f32 v9, v8  }
0x60: {  	s7 =	sadd.s32 $0xC0, s23;
	v41 =	vor.u32 s31, v4;
	v26 =	vld [tilespmem:s24+$0xFFFFFFF0];
	v25 =	vsub.f32 v11, v6;
	v27 =	vsub.f32 v13, v8  }
0x61: {  	s8 =	sadd.s32 $0xB0, s23;
	v34 =	vld [tilespmem:s6+$0xFFFFFFC0];
	v29 =	vsub.f32 v12, v7;
	v9 =	vor.u32 s7, v4;
	v31 =	vsub.f32 v14, v6  }
0x62: {  	s9 =	sadd.s32 $0xA0, s23;
	v37 =	vld [tilespmem:s24+$0xFFFFFFC0];
	v32 =	vsub.f32 v15, v7;
	v10 =	vor.u32 s8, v4;
	v33 =	vsub.f32 v16, v8  }
0x63: {  	s10 =	sadd.s32 $0x90, s23;
	v40 =	vld [tilespmem:s5+$0xFFFFFFC0];
	v17 =	vsub.f32 v17, v6;
	v11 =	vor.u32 s9, v4;
	v35 =	vsub.f32 v19, v8  }
0x64: {  	v55 =	vld [tilespmem:s5+$0xFFFFFFE0];
	v36 =	vsub.f32 v18, v7;
	v13 =	vor.u32 s10, v4;
	v38 =	vsub.f32 v20, v6  }
0x65: {  	v12 =	vld [tilespmem:s6+$0xFFFFFFD0];
	v39 =	vsub.f32 v21, v7;
	v42 =	vsub.f32 v24, v8;
	v14 =	vmul.f32 v22, v22  }
0x66: {  	v43 =	vsub.f32 v26, v6;
	v26 =	vld [tilespmem:s24+$0xFFFFFFD0];
	v16 =	vmul.f32 v29, v29;
	v18 =	vmul.f32 v27, v27  }
0x67: {  	v22 =	vld [tilespmem:s5+$0xFFFFFFD0];
	v29 =	vsub.f32 v34, v8;
	v19 =	vmul.f32 v31, v31;
	v21 =	vmul.f32 v33, v33  }
0x68: {  	v15 =	vld [tilespmem:s24+$0xFFFFFFE0];
	v27 =	vsub.f32 v37, v6;
	v20 =	vmul.f32 v32, v32;
	v24 =	vmul.f32 v36, v36  }
0x69: {  	v56 =	vld [tilespmem:s5+$0xFFFFFFF0];
	v31 =	vsub.f32 v40, v7;
	v58 =	vmul.f32 v42, v42;
	v62 =	vmul.f32 v43, v43  }
0x6a: {  	v34 =	vsub.f32 v55, v7;
	v33 =	vmul.f32 v39, v39;
	v27 =	vmul.f32 v27, v27  }
0x6b: {  	s6 =	simm.s32 $0x7840;
	v31 =	vmul.f32 v31, v31;
	v44 =	vsub.f32 v12, v8;
	v12 =	vmul.f32 v23, v23  }
0x6c: {  	v57 =	vld [tilespmem:s6+$0xFFFFFFC0];
	v23 =	vmul.f32 v17, v17;
	v17 =	vsub.f32 v26, v6;
	v22 =	vsub.f32 v22, v7  }
0x6d: {  	v29 =	vmul.f32 v29, v29;
	v45 =	vsub.f32 v15, v6;
	v27 =	vadd.f32 v31, v27  }
0x6e: {  	v59 =	vld [tilespmem:s6+$0xFFFFFFD0];
	v32 =	vsub.f32 v56, v7;
	v31 =	vmul.f32 v17, v17;
	v22 =	vmul.f32 v22, v22  }
0x6f: {  	v34 =	vmul.f32 v34, v34;
	v17 =	vld [tilespmem:s6+$0x30];
	v60 =	vmul.f32 v45, v45;
	v27 =	vadd.f32 v29, v27  }
0x70: {  	v32 =	vmul.f32 v32, v32;
	v61 =	vmul.f32 v44, v44;
	v29 =	vld [tilespmem:s6+$0xFFFFFFE0];
	v31 =	vadd.f32 v22, v31  }
0x71: {  	v15 =	vmul.f32 v25, v25;
	v34 =	vadd.f32 v34, v60;
	v63 =	vmin.f32 v57, v27;
	v27 =	vld [tilespmem:s6+$0x10]  }
0x72: {  	v25 =	vmul.f32 v35, v35;
	v26 =	vmul.f32 v38, v38;
	v22 =	vld [tilespmem:s6+$0x20];
	v38 =	vadd.f32 v61, v31  }
0x73: {  	v36 =	vadd.f32 v32, v62;
	vm2 =	vgt.f32 v63, v28;
	v34 =	vadd.f32 v58, v34;
	v31 =	vld [tilespmem:s6+$0xFFFFFFF0]  }
0x74: {  	s7 =	simm.s32 $0x0;
	s8 =	simm.s32 $0x70C0;
	[tilespmem:s6+$0xFFFFFFC0] =	vst v63;
	v35 =	vsel vm2, v63, v28;
	v32 =	vsel vm2, v41, v30;
	v30 =	vld [tilespmem:s6+$0x0];
	v28 =	vmin.f32 v59, v38  }
.LBB2_5:
0x75: {  	v37 =	vld [tilespmem:s8+$0x30];
	[tilespmem:s6+$0xFFFFFFD0] =	vst v28;
	vm2 =	vgt.f32 v28, v35;
	v25 =	vadd.f32 v25, v36;
	v26 =	vadd.f32 v33, v26  }
0x76: {  	s24 =	sadd.s32 $0x80, s24;
	v33 =	vld [tilespmem:s8+$0x20];
	v28 =	vsel vm2, v28, v35;
	v13 =	vsel vm2, v13, v32;
	v29 =	vmin.f32 v29, v34  }
0x77: {  	v23 =	vadd.f32 v24, v23;
	s5 =	sadd.s32 $0x80, s5;
	v32 =	vld [tilespmem:s24+$0x30];
	[tilespmem:s6+$0xFFFFFFE0] =	vst v29;
	vm2 =	vgt.f32 v29, v28;
	v21 =	vadd.f32 v21, v26  }
0x78: {  	v24 =	vld [tilespmem:s5+$0x30];
	v26 =	vsel vm2, v29, v28;
	v11 =	vsel vm2, v11, v13;
	v13 =	vmin.f32 v31, v25  }
0x79: {  	v19 =	vadd.f32 v20, v19;
	v18 =	vadd.f32 v18, v23;
	v25 =	vld [tilespmem:s8+$0x10];
	[tilespmem:s6+$0xFFFFFFF0] =	vst v13;
	vm2 =	vgt.f32 v13, v26  }
0x7a: {  	v20 =	vld [tilespmem:s24+$0x20];
	v13 =	vsel vm2, v13, v26;
	v10 =	vsel vm2, v10, v11;
	v11 =	vmin.f32 v30, v21  }
0x7b: {  	v15 =	vadd.f32 v16, v15;
	v14 =	vadd.f32 v14, v19;
	v21 =	vld [tilespmem:s5+$0x20];
	[tilespmem:s6+$0x0] =	vst v11;
	vm2 =	vgt.f32 v11, v13  }
0x7c: {  	s9 =	sadd.s32 $0xD0, s23;
	v16 =	vld [tilespmem:s8+$0x0];
	v11 =	vsel vm2, v11, v13;
	v9 =	vsel vm2, v9, v10;
	v10 =	vmin.f32 v27, v18  }
0x7d: {  	v12 =	vadd.f32 v12, v15;
	v18 =	vor.u32 s9, v4;
	v13 =	vld [tilespmem:s24+$0x10];
	[tilespmem:s6+$0x10] =	vst v10;
	vm2 =	vgt.f32 v10, v11  }
0x7e: {  	s9 =	sadd.s32 $0xE0, s23;
	s23 =	sadd.s32 $0xF0, s23;
	v15 =	vld [tilespmem:s5+$0x10];
	v10 =	vsel vm2, v10, v11;
	v9 =	vsel vm2, v18, v9;
	v11 =	vmin.f32 v22, v14  }
0x7f: {  	v19 =	vor.u32 s23, v4;
	v18 =	vor.u32 s9, v4;
	v14 =	vld [tilespmem:s8+$0xFFFFFFF0];
	[tilespmem:s6+$0x20] =	vst v11;
	vm2 =	vgt.f32 v11, v10  }
0x80: {  	v22 =	vld [tilespmem:s24+$0x0];
	v10 =	vsel vm2, v11, v10;
	v9 =	vsel vm2, v18, v9;
	v11 =	vmin.f32 v17, v12  }
0x81: {  	v17 =	vsub.f32 v33, v8;
	v18 =	vsub.f32 v37, v8;
	v12 =	vld [tilespmem:s5+$0x0];
	[tilespmem:s6+$0x30] =	vst v11;
	vm2 =	vgt.f32 v11, v10  }
0x82: {  	v26 =	vsub.f32 v32, v6;
	s23 =	sadd.s32 s7, s4;
	v23 =	vld [tilespmem:s8+$0xFFFFFFE0];
	v28 =	vsel vm2, v11, v10;
	v30 =	vsel vm2, v19, v9  }
0x83: {  	v24 =	vsub.f32 v24, v7;
	s9 =	sadd.s32 $0xC0, s23;
	v25 =	vsub.f32 v25, v8;
	v19 =	vld [tilespmem:s24+$0xFFFFFFF0]  }
0x84: {  	s10 =	sadd.s32 $0xB0, s23;
	v20 =	vsub.f32 v20, v6;
	v29 =	vsub.f32 v21, v7;
	v9 =	vor.u32 s9, v4;
	v27 =	vld [tilespmem:s8+$0xFFFFFFD0]  }
0x85: {  	v31 =	vsub.f32 v16, v8;
	s9 =	sadd.s32 $0xA0, s23;
	v10 =	vor.u32 s10, v4;
	v32 =	vsub.f32 v13, v6;
	v21 =	vld [tilespmem:s24+$0xFFFFFFE0]  }
0x86: {  	s10 =	sadd.s32 $0x90, s23;
	v11 =	vor.u32 s9, v4;
	v35 =	vsub.f32 v15, v7;
	v34 =	vsub.f32 v14, v8;
	v33 =	vld [tilespmem:s8+$0xFFFFFFC0]  }
0x87: {  	s9 =	sadd.s32 $0x80, s23;
	v13 =	vor.u32 s10, v4;
	v22 =	vsub.f32 v22, v6;
	v37 =	vsub.f32 v12, v7;
	v36 =	vld [tilespmem:s24+$0xFFFFFFC0]  }
0x88: {  	s7 =	sadd.s32 $0x80, s7;
	v39 =	vor.u32 s9, v4;
	v40 =	vsub.f32 v23, v8;
	v38 =	vld [tilespmem:s5+$0xFFFFFFC0];
	v41 =	vsub.f32 v19, v6  }
0x89: {  	p1 =	slt.u32 s7, $0x780;
	v14 =	vmul.f32 v17, v17;
	v12 =	vmul.f32 v18, v18;
	v42 =	vld [tilespmem:s24+$0xFFFFFFD0];
	v27 =	vsub.f32 v27, v8  }
0x8a: {  	v16 =	vmul.f32 v24, v24;
	v15 =	vmul.f32 v26, v26;
	v17 =	vld [tilespmem:s5+$0xFFFFFFD0];
	v43 =	vsub.f32 v21, v6  }
0x8b: {  	v18 =	vmul.f32 v25, v25;
	v19 =	vmul.f32 v20, v20;
	v33 =	vsub.f32 v33, v8;
	v44 =	vld [tilespmem:s5+$0xFFFFFFE0]  }
0x8c: {  	v20 =	vmul.f32 v29, v29;
	v21 =	vmul.f32 v31, v31;
	v36 =	vsub.f32 v36, v6  }
0x8d: {  	v24 =	vmul.f32 v35, v35;
	v23 =	vmul.f32 v32, v32;
	v29 =	vsub.f32 v38, v7;
	v31 =	vld [tilespmem:s5+$0xFFFFFFF0]  }
0x8e: {  	v25 =	vmul.f32 v34, v34;
	v26 =	vmul.f32 v22, v22;
	v32 =	vsub.f32 v42, v6  }
0x8f: {  	s6 =	sadd.s32 $0x80, s6;
	v22 =	vmul.f32 v36, v36;
	v29 =	vmul.f32 v29, v29;
	v17 =	vsub.f32 v17, v7  }
0x90: {  	v33 =	vmul.f32 v33, v33;
	v36 =	vmul.f32 v40, v40;
	v34 =	vld [tilespmem:s6+$0xFFFFFFC0];
	v35 =	vsub.f32 v44, v7  }
0x91: {  	v22 =	vadd.f32 v29, v22;
	v29 =	vmul.f32 v32, v32;
	v32 =	vmul.f32 v17, v17;
	v17 =	vld [tilespmem:s6+$0x30]  }
0x92: {  	v40 =	vmul.f32 v43, v43;
	v38 =	vld [tilespmem:s6+$0xFFFFFFD0];
	v35 =	vmul.f32 v35, v35;
	v31 =	vsub.f32 v31, v7  }
.Ltmp1:
0x93: {  	v27 =	vmul.f32 v27, v27;
	v33 =	vadd.f32 v33, v22;
	v32 =	vadd.f32 v32, v29;
	v22 =	vld [tilespmem:s6+$0x20];
	(pc) =	sbr.rel @p1 .LBB2_5-.Ltmp1, $4  }
0x94: {  	v29 =	vld [tilespmem:s6+$0xFFFFFFE0];
	v35 =	vadd.f32 v35, v40;
	v40 =	vmul.f32 v41, v41;
	v41 =	vmul.f32 v31, v31  }
0x95: {  	v42 =	vmin.f32 v34, v33;
	v43 =	vadd.f32 v27, v32;
	v33 =	vmul.f32 v37, v37;
	v27 =	vld [tilespmem:s6+$0x10]  }
0x96: {  	[tilespmem:s6+$0xFFFFFFC0] =	vst v42;
	vm2 =	vgt.f32 v42, v28;
	v34 =	vadd.f32 v36, v35;
	v31 =	vld [tilespmem:s6+$0xFFFFFFF0];
	v36 =	vadd.f32 v41, v40  }
0x97: {  	s8 =	sadd.s32 $0x80, s8;
	v35 =	vsel vm2, v42, v28;
	v32 =	vsel vm2, v39, v30;
	v28 =	vmin.f32 v38, v43;
	v30 =	vld [tilespmem:s6+$0x0]  }
0x98: {  	vm2 =	vgt.f32 v28, v35;
	v26 =	vadd.f32 v33, v26  }
0x99: {  	v25 =	vadd.f32 v25, v36;
	v49 =	vsel vm2, v28, v35;
	v29 =	vmin.f32 v29, v34  }
0x9a: {  	v23 =	vadd.f32 v24, v23;
	vm3 =	vgt.f32 v29, v49  }
0x9b: {  	v21 =	vadd.f32 v21, v26;
	v24 =	vsel vm3, v29, v49;
	v25 =	vmin.f32 v31, v25  }
0x9c: {  	v19 =	vadd.f32 v20, v19;
	vm4 =	vgt.f32 v25, v24  }
0x9d: {  	v18 =	vadd.f32 v18, v23;
	v21 =	vmin.f32 v30, v21;
	v20 =	vsel vm4, v25, v24  }
0x9e: {  	v15 =	vadd.f32 v16, v15;
	vm5 =	vgt.f32 v21, v20  }
0x9f: {  	v14 =	vadd.f32 v14, v19;
	v18 =	vmin.f32 v27, v18;
	v16 =	vsel vm5, v21, v20  }
0xa0: {  	vm6 =	vgt.f32 v18, v16  }
0xa1: {  	v12 =	vadd.f32 v12, v15;
	v14 =	vmin.f32 v22, v14;
	v15 =	vsel vm6, v18, v16  }
0xa2: {  	vm7 =	vgt.f32 v14, v15  }
0xa3: {  	v12 =	vmin.f32 v17, v12;
	v15 =	vsel vm7, v14, v15  }
0xa4: {  	vm8 =	vgt.f32 v12, v15  }
0xa5: {  	v13 =	vsel vm2, v13, v32;
	v15 =	vsel vm8, v12, v15  }
0xa6: {  	v11 =	vsel vm3, v11, v13;
	(xrf0) =	vmax.scan.msk.f32 $0xffff, v15  }
0xa7: {  	s5 =	sadd.s32 $0xD0, s23;
	v10 =	vsel vm4, v10, v11  }
0xa8: {  	s8 =	sadd.s32 $0xE0, s23;
	v9 =	vsel vm5, v9, v10;
	v10 =	vor.u32 s5, v4  }
0xa9: {  	v9 =	vsel vm6, v10, v9;
	v10 =	vor.u32 s8, v4;
	_ =	sdelay $0x1  }
0xaa: {  	s7 =	sadd.s32 $0xF0, s23  }
0xab: {  	v11 =	vor.u32 s7, v4;
	v9 =	vsel vm7, v10, v9;
	v10, _, _ =	vpop (xrf0)  }
0xac: {  	v9 =	vsel vm8, v11, v9;
	v10 =	vbroadcast v10, $0xF  }
0xad: {  	v9 =	vcvt.s32.f32 v9  }
0xae: {  	vm2 =	veq.f32 v15, v10  }
0xaf: {  	v9 =	vnsel vm2, $0x7F61B1E6, v9  }
0xb0: {  	(xrf0) =	vmin.scan.msk.f32 $0xffff, v9  }
0xb1: {  	[tilespmem:s6+$0xFFFFFFD0] =	vst v28  }
0xb2: {  	[tilespmem:s6+$0xFFFFFFE0] =	vst v29  }
0xb3: {  	[tilespmem:s6+$0xFFFFFFF0] =	vst v25  }
0xb4: {  	s23 =	sshll.u32 s22, $0x1;
	s9 =	smul.u32 $0x6, s22;
	[tilespmem:s6+$0x0] =	vst v21  }
0xb5: {  	[tilespmem:s6+$0x10] =	vst v18;
	v9 =	vmov s23  }
0xb6: {  	v13 =	vadd.s32 s9, v4;
	[tilespmem:s6+$0x20] =	vst v14;
	v9 =	vbroadcast v9, $0x0;
	v11, _, _ =	vpop (xrf0)  }
0xb7: {  	[tilespmem:s6+$0x30] =	vst v12;
	v11 =	vbroadcast v11, $0xF  }
0xb8: {  	[tilespmem:$0x8000] =	vst v10  }
0xb9: {  	v7 =	vsel vm0, v8, v7;
	[tilespmem:$0x8010] =	vst v11  }
0xba: {  	v6 =	vsel vm1, v6, v7;
	[spmem:s13] =	stream.linear.scatter [tilespmem:s25], [sflag:$0x2], $0x20, $0x38;
	[tilespmem:$0x109C0] =	vst v63  }
0xbb: {  	[tilespmem:v13+s28+$0x0] =	vst.idx.msk $0x7, v6  }
0xbc: {  	[tilespmem:v9+s29+$0x0] =	vst.idx.msk $0x1, v5  }
0xbd: {  	_ =	swait.ge [sflag:s30], $0x20  }
0xbe: {  	[sflag:s30] =	ssyncset.done $0x0  }
0xbf: {  	[sflag:s30] =	ssyncadd.s32 $0xFFFFFFE0  }
0xc0: {  	[bflag:$0x0] =	sbarrier.arrive $0xFFFF  }
0xc1: {  	[tilespmem:s26], [sflag:$0x3] =	stream.linear.gather [spmem:s14], $0x80, $0x38;
	[tilespmem:$0x109C0] =	vst v63  }
0xc2: {  	_ =	swait.ge [sflag:s19], $0x80  }
0xc3: {  	[sflag:s19] =	ssyncset.done $0x0  }
0xc4: {  	[sflag:s19] =	ssyncadd.s32 $0xFFFFFF80  }
0xc5: {  	v5 =	vld [tilespmem:$0x8080]  }
0xc6: {  	v6 =	vld [tilespmem:$0x8090]  }
0xc7: {  	v7 =	vld [tilespmem:$0x80A0]  }
0xc8: {  	v8 =	vld [tilespmem:$0x80B0]  }
0xc9: {  	v9 =	vld [tilespmem:$0x80C0]  }
0xca: {  	v10 =	vld [tilespmem:$0x80D0]  }
0xcb: {  	v11 =	vld [tilespmem:$0x80E0]  }
0xcc: {  	v12 =	vld [tilespmem:$0x80F0];
	vm2 =	vgt.f32 v7, v5  }
0xcd: {  	s10 =	simm.s32 $0x7040;
	v5 =	vsel vm2, v7, v5  }
0xce: {  	s5 =	simm.s32 $0x6040;
	v13 =	vld [tilespmem:s10+$0x10];
	vm3 =	vgt.f32 v9, v5  }
0xcf: {  	s6 =	simm.s32 $0x6840;
	v14 =	vld [tilespmem:s5+$0x20];
	v6 =	vsel vm2, v8, v6;
	v5 =	vsel vm3, v9, v5  }
0xd0: {  	v15 =	vld [tilespmem:s6+$0x20];
	v6 =	vsel vm3, v10, v6;
	vm2 =	vgt.f32 v11, v5  }
0xd1: {  	v16 =	vld [tilespmem:s10+$0x0];
	v5 =	vsel vm2, v12, v6  }
0xd2: {  	v17 =	vld [tilespmem:s5+$0x10];
	v5 =	vtrunc.f32 v5  }
0xd3: {  	v18 =	vld [tilespmem:s6+$0x10];
	v5 =	vcvt.f32.s32 v5  }
0xd4: {  	v19 =	vld [tilespmem:s10+$0xFFFFFFF0]  }
0xd5: {  	v9 =	vld [tilespmem:s10+$0x30]  }
0xd6: {  	v10 =	vld [tilespmem:s10+$0x20]  }
0xd7: {  	v11 =	vld [tilespmem:s5+$0x30]  }
0xd8: {  	v12 =	vld [tilespmem:s6+$0x30]  }
0xd9: {  	v8 =	vld.idx.msk [tilespmem:v5+s21+$0x0], $0xffff  }
0xda: {  	v6 =	vld.idx.msk [tilespmem:v5+s3+$0x0], $0xffff  }
0xdb: {  	v7 =	vld.idx.msk [tilespmem:v5+s20+$0x0], $0xffff  }
0xdc: {  	v20 =	vld [tilespmem:s5+$0x0]  }
0xdd: {  	v21 =	vld [tilespmem:s6+$0x0]  }
0xde: {  	v24 =	vld [tilespmem:s10+$0xFFFFFFE0];
	v22 =	vsub.f32 v10, v8;
	v23 =	vsub.f32 v9, v8  }
0xdf: {  	v26 =	vld [tilespmem:s5+$0xFFFFFFF0];
	v25 =	vsub.f32 v11, v6;
	v27 =	vsub.f32 v13, v8  }
0xe0: {  	s24 =	sadd.s32 $0xFFFFFF80, s4;
	v28 =	vimm.f32 $-1.000000000e+00;
	v55 =	vld [tilespmem:s6+$0xFFFFFFE0];
	v29 =	vsub.f32 v12, v7;
	v31 =	vsub.f32 v14, v6  }
0xe1: {  	v30 =	vimm.s32 $0x0;
	s8 =	sadd.s32 $0xC0, s24;
	v56 =	vld [tilespmem:s6+$0xFFFFFFF0];
	v50 =	vsub.f32 v15, v7;
	v51 =	vsub.f32 v16, v8  }
0xe2: {  	s9 =	sadd.s32 $0xB0, s24;
	v52 =	vld [tilespmem:s10+$0xFFFFFFC0];
	v9 =	vor.u32 s8, v4;
	v17 =	vsub.f32 v17, v6;
	v53 =	vsub.f32 v19, v8  }
0xe3: {  	s31 =	sadd.s32 $0xA0, s24;
	v37 =	vld [tilespmem:s5+$0xFFFFFFC0];
	v10 =	vor.u32 s9, v4;
	v54 =	vsub.f32 v18, v7;
	v38 =	vsub.f32 v20, v6  }
0xe4: {  	v40 =	vld [tilespmem:s6+$0xFFFFFFC0];
	v11 =	vor.u32 s31, v4;
	v39 =	vsub.f32 v21, v7;
	v42 =	vsub.f32 v24, v8  }
0xe5: {  	v12 =	vld [tilespmem:s10+$0xFFFFFFD0];
	v43 =	vsub.f32 v26, v6;
	v34 =	vsub.f32 v55, v7;
	v14 =	vmul.f32 v22, v22  }
0xe6: {  	s10 =	sadd.s32 $0x90, s24;
	v26 =	vld [tilespmem:s5+$0xFFFFFFD0];
	v32 =	vsub.f32 v56, v7;
	v16 =	vmul.f32 v29, v29;
	v18 =	vmul.f32 v27, v27  }
0xe7: {  	v13 =	vor.u32 s10, v4;
	v22 =	vld [tilespmem:s6+$0xFFFFFFD0];
	v19 =	vmul.f32 v31, v31;
	v21 =	vmul.f32 v51, v51  }
0xe8: {  	v15 =	vld [tilespmem:s5+$0xFFFFFFE0];
	v27 =	vsub.f32 v37, v6;
	v20 =	vmul.f32 v50, v50;
	v24 =	vmul.f32 v54, v54  }
0xe9: {  	v31 =	vsub.f32 v40, v7;
	v58 =	vmul.f32 v42, v42;
	v34 =	vmul.f32 v34, v34  }
0xea: {  	v29 =	vsub.f32 v52, v8;
	v62 =	vmul.f32 v43, v43;
	v27 =	vmul.f32 v27, v27  }
0xeb: {  	s7 =	simm.s32 $0x7840;
	v31 =	vmul.f32 v31, v31;
	v44 =	vsub.f32 v12, v8;
	v12 =	vmul.f32 v23, v23  }
0xec: {  	v57 =	vld [tilespmem:s7+$0xFFFFFFC0];
	v23 =	vmul.f32 v17, v17;
	v17 =	vsub.f32 v26, v6;
	v22 =	vsub.f32 v22, v7  }
0xed: {  	s31 =	sadd.s32 $0x80, s24;
	v29 =	vmul.f32 v29, v29;
	v45 =	vsub.f32 v15, v6;
	v27 =	vadd.f32 v31, v27  }
0xee: {  	v59 =	vld [tilespmem:s7+$0xFFFFFFD0];
	v41 =	vor.u32 s31, v4;
	v31 =	vmul.f32 v17, v17;
	v22 =	vmul.f32 v22, v22  }
0xef: {  	v32 =	vmul.f32 v32, v32;
	v17 =	vld [tilespmem:s7+$0x30];
	v60 =	vmul.f32 v45, v45;
	v27 =	vadd.f32 v29, v27  }
0xf0: {  	v33 =	vmul.f32 v39, v39;
	v61 =	vmul.f32 v44, v44;
	v29 =	vld [tilespmem:s7+$0xFFFFFFE0];
	v31 =	vadd.f32 v22, v31  }
0xf1: {  	v36 =	vadd.f32 v32, v62;
	v34 =	vadd.f32 v34, v60;
	v63 =	vmin.f32 v57, v27;
	v27 =	vld [tilespmem:s7+$0x10]  }
0xf2: {  	v15 =	vmul.f32 v25, v25;
	v26 =	vmul.f32 v38, v38;
	v22 =	vld [tilespmem:s7+$0x20];
	v38 =	vadd.f32 v61, v31  }
0xf3: {  	v25 =	vmul.f32 v53, v53;
	vm2 =	vgt.f32 v63, v28;
	v34 =	vadd.f32 v58, v34;
	v31 =	vld [tilespmem:s7+$0xFFFFFFF0]  }
0xf4: {  	s8 =	simm.s32 $0x0;
	s9 =	simm.s32 $0x70C0;
	[tilespmem:s7+$0xFFFFFFC0] =	vst v63;
	v35 =	vsel vm2, v63, v28;
	v32 =	vsel vm2, v41, v30;
	v30 =	vld [tilespmem:s7+$0x0];
	v28 =	vmin.f32 v59, v38  }
.LBB2_7:
0xf5: {  	v37 =	vld [tilespmem:s9+$0x30];
	[tilespmem:s7+$0xFFFFFFD0] =	vst v28;
	vm2 =	vgt.f32 v28, v35;
	v25 =	vadd.f32 v25, v36;
	v26 =	vadd.f32 v33, v26  }
0xf6: {  	s5 =	sadd.s32 $0x80, s5;
	v33 =	vld [tilespmem:s9+$0x20];
	v28 =	vsel vm2, v28, v35;
	v13 =	vsel vm2, v13, v32;
	v29 =	vmin.f32 v29, v34  }
0xf7: {  	v23 =	vadd.f32 v24, v23;
	s6 =	sadd.s32 $0x80, s6;
	v32 =	vld [tilespmem:s5+$0x30];
	[tilespmem:s7+$0xFFFFFFE0] =	vst v29;
	vm2 =	vgt.f32 v29, v28;
	v21 =	vadd.f32 v21, v26  }
0xf8: {  	v24 =	vld [tilespmem:s6+$0x30];
	v26 =	vsel vm2, v29, v28;
	v11 =	vsel vm2, v11, v13;
	v13 =	vmin.f32 v31, v25  }
0xf9: {  	v19 =	vadd.f32 v20, v19;
	v18 =	vadd.f32 v18, v23;
	v25 =	vld [tilespmem:s9+$0x10];
	[tilespmem:s7+$0xFFFFFFF0] =	vst v13;
	vm2 =	vgt.f32 v13, v26  }
0xfa: {  	v20 =	vld [tilespmem:s5+$0x20];
	v13 =	vsel vm2, v13, v26;
	v10 =	vsel vm2, v10, v11;
	v11 =	vmin.f32 v30, v21  }
0xfb: {  	v15 =	vadd.f32 v16, v15;
	v14 =	vadd.f32 v14, v19;
	v21 =	vld [tilespmem:s6+$0x20];
	[tilespmem:s7+$0x0] =	vst v11;
	vm2 =	vgt.f32 v11, v13  }
0xfc: {  	s10 =	sadd.s32 $0xD0, s24;
	v16 =	vld [tilespmem:s9+$0x0];
	v11 =	vsel vm2, v11, v13;
	v9 =	vsel vm2, v9, v10;
	v10 =	vmin.f32 v27, v18  }
0xfd: {  	v12 =	vadd.f32 v12, v15;
	v18 =	vor.u32 s10, v4;
	v13 =	vld [tilespmem:s5+$0x10];
	[tilespmem:s7+$0x10] =	vst v10;
	vm2 =	vgt.f32 v10, v11  }
0xfe: {  	s10 =	sadd.s32 $0xE0, s24;
	s24 =	sadd.s32 $0xF0, s24;
	v15 =	vld [tilespmem:s6+$0x10];
	v10 =	vsel vm2, v10, v11;
	v9 =	vsel vm2, v18, v9;
	v11 =	vmin.f32 v22, v14  }
0xff: {  	v19 =	vor.u32 s24, v4;
	v18 =	vor.u32 s10, v4;
	v14 =	vld [tilespmem:s9+$0xFFFFFFF0];
	[tilespmem:s7+$0x20] =	vst v11;
	vm2 =	vgt.f32 v11, v10  }
0x100: {  	v22 =	vld [tilespmem:s5+$0x0];
	v10 =	vsel vm2, v11, v10;
	v9 =	vsel vm2, v18, v9;
	v11 =	vmin.f32 v17, v12  }
0x101: {  	v17 =	vsub.f32 v33, v8;
	v18 =	vsub.f32 v37, v8;
	v12 =	vld [tilespmem:s6+$0x0];
	[tilespmem:s7+$0x30] =	vst v11;
	vm2 =	vgt.f32 v11, v10  }
0x102: {  	v26 =	vsub.f32 v32, v6;
	s24 =	sadd.s32 s8, s4;
	v23 =	vld [tilespmem:s9+$0xFFFFFFE0];
	v28 =	vsel vm2, v11, v10;
	v30 =	vsel vm2, v19, v9  }
0x103: {  	v24 =	vsub.f32 v24, v7;
	s10 =	sadd.s32 $0xC0, s24;
	v25 =	vsub.f32 v25, v8;
	v19 =	vld [tilespmem:s5+$0xFFFFFFF0]  }
0x104: {  	s31 =	sadd.s32 $0xB0, s24;
	v20 =	vsub.f32 v20, v6;
	v29 =	vsub.f32 v21, v7;
	v9 =	vor.u32 s10, v4;
	v27 =	vld [tilespmem:s9+$0xFFFFFFD0]  }
0x105: {  	v31 =	vsub.f32 v16, v8;
	s10 =	sadd.s32 $0xA0, s24;
	v10 =	vor.u32 s31, v4;
	v32 =	vsub.f32 v13, v6;
	v21 =	vld [tilespmem:s5+$0xFFFFFFE0]  }
0x106: {  	s31 =	sadd.s32 $0x90, s24;
	v11 =	vor.u32 s10, v4;
	v35 =	vsub.f32 v15, v7;
	v34 =	vsub.f32 v14, v8;
	v33 =	vld [tilespmem:s9+$0xFFFFFFC0]  }
0x107: {  	s10 =	sadd.s32 $0x80, s24;
	v13 =	vor.u32 s31, v4;
	v22 =	vsub.f32 v22, v6;
	v37 =	vsub.f32 v12, v7;
	v36 =	vld [tilespmem:s5+$0xFFFFFFC0]  }
0x108: {  	s8 =	sadd.s32 $0x80, s8;
	v39 =	vor.u32 s10, v4;
	v40 =	vsub.f32 v23, v8;
	v38 =	vld [tilespmem:s6+$0xFFFFFFC0];
	v41 =	vsub.f32 v19, v6  }
0x109: {  	p1 =	slt.u32 s8, $0x780;
	v14 =	vmul.f32 v17, v17;
	v12 =	vmul.f32 v18, v18;
	v42 =	vld [tilespmem:s5+$0xFFFFFFD0];
	v27 =	vsub.f32 v27, v8  }
0x10a: {  	v16 =	vmul.f32 v24, v24;
	v15 =	vmul.f32 v26, v26;
	v17 =	vld [tilespmem:s6+$0xFFFFFFD0];
	v43 =	vsub.f32 v21, v6  }
0x10b: {  	v18 =	vmul.f32 v25, v25;
	v19 =	vmul.f32 v20, v20;
	v33 =	vsub.f32 v33, v8;
	v44 =	vld [tilespmem:s6+$0xFFFFFFE0]  }
0x10c: {  	v20 =	vmul.f32 v29, v29;
	v21 =	vmul.f32 v31, v31;
	v36 =	vsub.f32 v36, v6  }
0x10d: {  	v24 =	vmul.f32 v35, v35;
	v23 =	vmul.f32 v32, v32;
	v29 =	vsub.f32 v38, v7;
	v31 =	vld [tilespmem:s6+$0xFFFFFFF0]  }
0x10e: {  	v25 =	vmul.f32 v34, v34;
	v26 =	vmul.f32 v22, v22;
	v32 =	vsub.f32 v42, v6  }
0x10f: {  	s7 =	sadd.s32 $0x80, s7;
	v22 =	vmul.f32 v36, v36;
	v29 =	vmul.f32 v29, v29;
	v17 =	vsub.f32 v17, v7  }
0x110: {  	v33 =	vmul.f32 v33, v33;
	v36 =	vmul.f32 v40, v40;
	v34 =	vld [tilespmem:s7+$0xFFFFFFC0];
	v35 =	vsub.f32 v44, v7  }
0x111: {  	v22 =	vadd.f32 v29, v22;
	v29 =	vmul.f32 v32, v32;
	v32 =	vmul.f32 v17, v17;
	v17 =	vld [tilespmem:s7+$0x30]  }
0x112: {  	v40 =	vmul.f32 v43, v43;
	v38 =	vld [tilespmem:s7+$0xFFFFFFD0];
	v35 =	vmul.f32 v35, v35;
	v31 =	vsub.f32 v31, v7  }
.Ltmp2:
0x113: {  	v27 =	vmul.f32 v27, v27;
	v33 =	vadd.f32 v33, v22;
	v32 =	vadd.f32 v32, v29;
	v22 =	vld [tilespmem:s7+$0x20];
	(pc) =	sbr.rel @p1 .LBB2_7-.Ltmp2, $4  }
0x114: {  	v29 =	vld [tilespmem:s7+$0xFFFFFFE0];
	v35 =	vadd.f32 v35, v40;
	v40 =	vmul.f32 v41, v41;
	v41 =	vmul.f32 v31, v31  }
0x115: {  	v42 =	vmin.f32 v34, v33;
	v43 =	vadd.f32 v27, v32;
	v33 =	vmul.f32 v37, v37;
	v27 =	vld [tilespmem:s7+$0x10]  }
0x116: {  	[tilespmem:s7+$0xFFFFFFC0] =	vst v42;
	vm2 =	vgt.f32 v42, v28;
	v34 =	vadd.f32 v36, v35;
	v31 =	vld [tilespmem:s7+$0xFFFFFFF0];
	v36 =	vadd.f32 v41, v40  }
0x117: {  	s9 =	sadd.s32 $0x80, s9;
	v35 =	vsel vm2, v42, v28;
	v32 =	vsel vm2, v39, v30;
	v28 =	vmin.f32 v38, v43;
	v30 =	vld [tilespmem:s7+$0x0]  }
0x118: {  	vm2 =	vgt.f32 v28, v35;
	v26 =	vadd.f32 v33, v26  }
0x119: {  	v25 =	vadd.f32 v25, v36;
	v52 =	vsel vm2, v28, v35;
	v29 =	vmin.f32 v29, v34  }
0x11a: {  	v23 =	vadd.f32 v24, v23;
	vm3 =	vgt.f32 v29, v52  }
0x11b: {  	v21 =	vadd.f32 v21, v26;
	v53 =	vsel vm3, v29, v52;
	v25 =	vmin.f32 v31, v25  }
0x11c: {  	v19 =	vadd.f32 v20, v19;
	vm4 =	vgt.f32 v25, v53  }
0x11d: {  	v18 =	vadd.f32 v18, v23;
	v21 =	vmin.f32 v30, v21;
	v54 =	vsel vm4, v25, v53  }
0x11e: {  	v15 =	vadd.f32 v16, v15;
	vm5 =	vgt.f32 v21, v54  }
0x11f: {  	v14 =	vadd.f32 v14, v19;
	v18 =	vmin.f32 v27, v18;
	v55 =	vsel vm5, v21, v54  }
0x120: {  	vm6 =	vgt.f32 v18, v55  }
0x121: {  	v12 =	vadd.f32 v12, v15;
	v14 =	vmin.f32 v22, v14;
	v56 =	vsel vm6, v18, v55  }
0x122: {  	vm7 =	vgt.f32 v14, v56  }
0x123: {  	v12 =	vmin.f32 v17, v12;
	v15 =	vsel vm7, v14, v56  }
0x124: {  	vm8 =	vgt.f32 v12, v15  }
0x125: {  	v15 =	vsel vm8, v12, v15  }
0x126: {  	(xrf0) =	vmax.scan.msk.f32 $0xffff, v15  }
0x127: {  	v13 =	vsel vm2, v13, v32  }
0x128: {  	v11 =	vsel vm3, v11, v13  }
0x129: {  	s5 =	sadd.s32 $0xD0, s24;
	v10 =	vsel vm4, v10, v11  }
0x12a: {  	s10 =	sadd.s32 $0xE0, s24;
	v57 =	vor.u32 s5, v4;
	v9 =	vsel vm5, v9, v10  }
0x12b: {  	s6 =	sadd.s32 $0xF0, s24;
	v58 =	vor.u32 s10, v4;
	v9 =	vsel vm6, v57, v9  }
0x12c: {  	v59 =	vor.u32 s6, v4;
	v9 =	vsel vm7, v58, v9;
	v60, _, _ =	vpop (xrf0)  }
0x12d: {  	v9 =	vsel vm8, v59, v9;
	v61 =	vbroadcast v60, $0xF  }
0x12e: {  	v9 =	vcvt.s32.f32 v9  }
0x12f: {  	vm2 =	veq.f32 v15, v61  }
0x130: {  	v9 =	vnsel vm2, $0x7F61B1E6, v9  }
0x131: {  	(xrf0) =	vmin.scan.msk.f32 $0xffff, v9  }
0x132: {  	[tilespmem:s7+$0xFFFFFFD0] =	vst v28  }
0x133: {  	[tilespmem:s7+$0xFFFFFFE0] =	vst v29  }
0x134: {  	s24 =	sor.u32 $0x1, s23;
	[tilespmem:s7+$0xFFFFFFF0] =	vst v25  }
0x135: {  	s31 =	smul.u32 $0x3, s24;
	[tilespmem:s7+$0x0] =	vst v21  }
0x136: {  	[tilespmem:s7+$0x10] =	vst v18  }
0x137: {  	v62 =	vadd.s32 s31, v4;
	[tilespmem:s7+$0x20] =	vst v14;
	v9, _, _ =	vpop (xrf0)  }
0x138: {  	v63 =	vmov s24;
	[tilespmem:s7+$0x30] =	vst v12;
	v9 =	vbroadcast v9, $0xF  }
0x139: {  	[tilespmem:$0x8000] =	vst v61  }
0x13a: {  	v7 =	vsel vm0, v8, v7;
	[tilespmem:$0x8010] =	vst v9  }
0x13b: {  	v6 =	vsel vm1, v6, v7;
	[spmem:s11] =	stream.linear.scatter [tilespmem:s25], [sflag:$0x2], $0x20, $0x38;
	[tilespmem:$0x109C0] =	vst v63  }
0x13c: {  	s22 =	sadd.s32 $0x1, s22;
	[tilespmem:v62+s28+$0x0] =	vst.idx.msk $0x7, v6  }
0x13d: {  	p1 =	sne.s32 s22, $0x100;
	[tilespmem:v63+s29+$0x0] =	vst.idx.msk $0x1, v5  }
.Ltmp3:
0x13e: {  	_ =	swait.ge [sflag:s30], $0x20;
	(pc) =	sbr.rel @p1 .LBB2_4-.Ltmp3, $3  }
0x13f: {  	[sflag:s30] =	ssyncset.done $0x0  }
0x140: {  	[sflag:s30] =	ssyncadd.s32 $0xFFFFFFE0  }
0x141: {  	[bflag:$0x0] =	sbarrier.arrive $0xFFFF;
	_ =	sdelay $0x1  }
0x142: {  	v5 =	vld [tilespmem:s15+$0x8100];
	_ =	sdelay $0x4  }
0x143: {  	v6 =	vadd.s32 v1, v5  }
0x144: {  	[tilespmem:$0x8900] =	vst v6  }
0x145: {  	v7 =	vld [tilespmem:s15+$0x8110];
	_ =	sdelay $0x4  }
0x146: {  	v7 =	vadd.s32 v1, v7  }
0x147: {  	[tilespmem:$0x8910] =	vst v7  }
0x148: {  	v7 =	vld [tilespmem:s15+$0x8120];
	_ =	sdelay $0x4  }
0x149: {  	v7 =	vadd.s32 v1, v7  }
0x14a: {  	[tilespmem:$0x8920] =	vst v7  }
0x14b: {  	v7 =	vld [tilespmem:s15+$0x8130];
	_ =	sdelay $0x4  }
0x14c: {  	v7 =	vadd.s32 v1, v7  }
0x14d: {  	[tilespmem:$0x8930] =	vst v7  }
0x14e: {  	v7 =	vld [tilespmem:s15+$0x8140];
	_ =	sdelay $0x4  }
0x14f: {  	v7 =	vadd.s32 v1, v7  }
0x150: {  	[tilespmem:$0x8940] =	vst v7  }
0x151: {  	v7 =	vld [tilespmem:s15+$0x8150];
	_ =	sdelay $0x4  }
0x152: {  	v7 =	vadd.s32 v1, v7  }
0x153: {  	[tilespmem:$0x8950] =	vst v7  }
0x154: {  	v7 =	vld [tilespmem:s15+$0x8160];
	_ =	sdelay $0x3  }
0x155: {  	v6 =	vshll.u32 v6, $0x1  }
0x156: {  	v5 =	vand.u32 $0x7, v5;
	v6 =	vand.u32 $0xFFFFFFF0, v6;
	v7 =	vadd.s32 v1, v7  }
0x157: {  	v5 =	vor.u32 v5, v6;
	v6 =	vand.u32 $0x7, v4;
	[tilespmem:$0x8960] =	vst v7;
	v7 =	vshrl.u32 v4, $0x3  }
0x158: {  	v9 =	vperm.xlane v5, v6;
	v8 =	vld [tilespmem:s15+$0x8170];
	v7 =	vmul.u32 $0x8, v7  }
0x159: {  	v10 =	vor.u32 $0x8, v4  }
0x15a: {  	v5 =	vperm.xlane v5, v10;
	v9 =	vadd.s32 v7, v9;
	_ =	sdelay $0x1  }
0x15b: {  	v5 =	vadd.s32 v7, v5  }
0x15c: {  	v8 =	vadd.s32 v1, v8  }
0x15d: {  	vm2 =	vmmov $0xffff;
	s5 =	simm.s32 $0x8980;
	[tilespmem:$0x8970] =	vst v8  }
0x15e: {  	[tilespmem:s5], [sflag:$0x1] =	stream.indirect_vreg.gather [hbm4b:s1+s3], $0x80, v9, vm2, $0xb8;
	[tilespmem:$0x109C0] =	vst v63  }
0x15f: {  	s6 =	simm.s32 $0x9180  }
0x160: {  	[tilespmem:s6], [sflag:$0x1] =	stream.indirect_vreg.gather [hbm4b:s1+s3], $0x80, v5, vm2, $0xb8;
	[tilespmem:$0x109C0] =	vst v63  }
0x161: {  	v5 =	vld [tilespmem:$0x8910];
	_ =	sdelay $0x4  }
0x162: {  	v57 =	vshll.u32 v5, $0x1  }
0x163: {  	v5 =	vand.u32 $0x7, v5;
	v8 =	vand.u32 $0xFFFFFFF0, v57  }
0x164: {  	v5 =	vor.u32 v5, v8  }
0x165: {  	v8 =	vperm.xlane v5, v6;
	_ =	sdelay $0x1  }
0x166: {  	v5 =	vperm.xlane v5, v10;
	v8 =	vadd.s32 v7, v8;
	_ =	sdelay $0x1  }
0x167: {  	v5 =	vadd.s32 v7, v5;
	_ =	sdelay $0x1  }
0x168: {  	s9 =	simm.s32 $0x9980  }
0x169: {  	[tilespmem:s9], [sflag:$0x1] =	stream.indirect_vreg.gather [hbm4b:s1+s3], $0x80, v8, vm2, $0xb8;
	[tilespmem:$0x109C0] =	vst v63  }
0x16a: {  	s10 =	simm.s32 $0xA180  }
0x16b: {  	[tilespmem:s10], [sflag:$0x1] =	stream.indirect_vreg.gather [hbm4b:s1+s3], $0x80, v5, vm2, $0xb8;
	[tilespmem:$0x109C0] =	vst v63  }
0x16c: {  	v5 =	vld [tilespmem:$0x8920];
	_ =	sdelay $0x4  }
0x16d: {  	v58 =	vshll.u32 v5, $0x1  }
0x16e: {  	v5 =	vand.u32 $0x7, v5;
	v8 =	vand.u32 $0xFFFFFFF0, v58  }
0x16f: {  	v5 =	vor.u32 v5, v8  }
0x170: {  	v8 =	vperm.xlane v5, v6;
	_ =	sdelay $0x1  }
0x171: {  	v5 =	vperm.xlane v5, v10;
	v8 =	vadd.s32 v7, v8;
	_ =	sdelay $0x1  }
0x172: {  	v5 =	vadd.s32 v7, v5;
	_ =	sdelay $0x1  }
0x173: {  	s22 =	simm.s32 $0xA980  }
0x174: {  	[tilespmem:s22], [sflag:$0x1] =	stream.indirect_vreg.gather [hbm4b:s1+s3], $0x80, v8, vm2, $0xb8;
	[tilespmem:$0x109C0] =	vst v63  }
0x175: {  	s23 =	simm.s32 $0xB180  }
0x176: {  	[tilespmem:s23], [sflag:$0x1] =	stream.indirect_vreg.gather [hbm4b:s1+s3], $0x80, v5, vm2, $0xb8;
	[tilespmem:$0x109C0] =	vst v63  }
0x177: {  	v5 =	vld [tilespmem:$0x8930];
	_ =	sdelay $0x4  }
0x178: {  	v59 =	vshll.u32 v5, $0x1  }
0x179: {  	v5 =	vand.u32 $0x7, v5;
	v8 =	vand.u32 $0xFFFFFFF0, v59  }
0x17a: {  	v5 =	vor.u32 v5, v8  }
0x17b: {  	v8 =	vperm.xlane v5, v6;
	_ =	sdelay $0x1  }
0x17c: {  	v5 =	vperm.xlane v5, v10;
	v8 =	vadd.s32 v7, v8;
	_ =	sdelay $0x1  }
0x17d: {  	v5 =	vadd.s32 v7, v5;
	_ =	sdelay $0x1  }
0x17e: {  	s24 =	simm.s32 $0xB980  }
0x17f: {  	[tilespmem:s24], [sflag:$0x1] =	stream.indirect_vreg.gather [hbm4b:s1+s3], $0x80, v8, vm2, $0xb8;
	[tilespmem:$0x109C0] =	vst v63  }
0x180: {  	s31 =	simm.s32 $0xC180  }
0x181: {  	[tilespmem:s31], [sflag:$0x1] =	stream.indirect_vreg.gather [hbm4b:s1+s3], $0x80, v5, vm2, $0xb8;
	[tilespmem:$0x109C0] =	vst v63  }
0x182: {  	v5 =	vld [tilespmem:$0x8940];
	_ =	sdelay $0x4  }
0x183: {  	v60 =	vshll.u32 v5, $0x1  }
0x184: {  	v5 =	vand.u32 $0x7, v5;
	v8 =	vand.u32 $0xFFFFFFF0, v60  }
0x185: {  	v5 =	vor.u32 v5, v8  }
0x186: {  	v8 =	vperm.xlane v5, v6;
	_ =	sdelay $0x1  }
0x187: {  	v5 =	vperm.xlane v5, v10;
	v8 =	vadd.s32 v7, v8;
	_ =	sdelay $0x1  }
0x188: {  	v5 =	vadd.s32 v7, v5;
	_ =	sdelay $0x1  }
0x189: {  	s7 =	simm.s32 $0xC980  }
0x18a: {  	[tilespmem:s7], [sflag:$0x1] =	stream.indirect_vreg.gather [hbm4b:s1+s3], $0x80, v8, vm2, $0xb8;
	[tilespmem:$0x109C0] =	vst v63  }
0x18b: {  	s8 =	simm.s32 $0xD180  }
0x18c: {  	[tilespmem:s8], [sflag:$0x1] =	stream.indirect_vreg.gather [hbm4b:s1+s3], $0x80, v5, vm2, $0xb8;
	[tilespmem:$0x109C0] =	vst v63  }
0x18d: {  	v5 =	vld [tilespmem:$0x8950];
	_ =	sdelay $0x4  }
0x18e: {  	v61 =	vshll.u32 v5, $0x1  }
0x18f: {  	v5 =	vand.u32 $0x7, v5;
	v8 =	vand.u32 $0xFFFFFFF0, v61  }
0x190: {  	v5 =	vor.u32 v5, v8  }
0x191: {  	v8 =	vperm.xlane v5, v6;
	_ =	sdelay $0x1  }
0x192: {  	v5 =	vperm.xlane v5, v10;
	v8 =	vadd.s32 v7, v8;
	_ =	sdelay $0x1  }
0x193: {  	v5 =	vadd.s32 v7, v5;
	_ =	sdelay $0x1  }
0x194: {  	s9 =	simm.s32 $0xD980  }
0x195: {  	[tilespmem:s9], [sflag:$0x1] =	stream.indirect_vreg.gather [hbm4b:s1+s3], $0x80, v8, vm2, $0xb8;
	[tilespmem:$0x109C0] =	vst v63  }
0x196: {  	s10 =	simm.s32 $0xE180  }
0x197: {  	[tilespmem:s10], [sflag:$0x1] =	stream.indirect_vreg.gather [hbm4b:s1+s3], $0x80, v5, vm2, $0xb8;
	[tilespmem:$0x109C0] =	vst v63  }
0x198: {  	v5 =	vld [tilespmem:$0x8960];
	_ =	sdelay $0x4  }
0x199: {  	v62 =	vshll.u32 v5, $0x1  }
0x19a: {  	v5 =	vand.u32 $0x7, v5;
	v8 =	vand.u32 $0xFFFFFFF0, v62  }
0x19b: {  	v5 =	vor.u32 v5, v8  }
0x19c: {  	v8 =	vperm.xlane v5, v6;
	_ =	sdelay $0x1  }
0x19d: {  	v5 =	vperm.xlane v5, v10;
	v8 =	vadd.s32 v7, v8;
	_ =	sdelay $0x1  }
0x19e: {  	v5 =	vadd.s32 v7, v5;
	_ =	sdelay $0x1  }
0x19f: {  	s22 =	simm.s32 $0xE980  }
0x1a0: {  	[tilespmem:s22], [sflag:$0x1] =	stream.indirect_vreg.gather [hbm4b:s1+s3], $0x80, v8, vm2, $0xb8;
	[tilespmem:$0x109C0] =	vst v63  }
0x1a1: {  	s23 =	simm.s32 $0xF180  }
0x1a2: {  	[tilespmem:s23], [sflag:$0x1] =	stream.indirect_vreg.gather [hbm4b:s1+s3], $0x80, v5, vm2, $0xb8;
	[tilespmem:$0x109C0] =	vst v63  }
0x1a3: {  	v5 =	vld [tilespmem:$0x8970];
	_ =	sdelay $0x4  }
0x1a4: {  	v63 =	vshll.u32 v5, $0x1  }
0x1a5: {  	v5 =	vand.u32 $0x7, v5;
	v8 =	vand.u32 $0xFFFFFFF0, v63  }
0x1a6: {  	v5 =	vor.u32 v5, v8  }
0x1a7: {  	v6 =	vperm.xlane v5, v6;
	_ =	sdelay $0x1  }
0x1a8: {  	v5 =	vperm.xlane v5, v10;
	v6 =	vadd.s32 v7, v6;
	_ =	sdelay $0x1  }
0x1a9: {  	v5 =	vadd.s32 v7, v5;
	_ =	sdelay $0x1  }
0x1aa: {  	s24 =	simm.s32 $0xF980  }
0x1ab: {  	[tilespmem:s24], [sflag:$0x1] =	stream.indirect_vreg.gather [hbm4b:s1+s3], $0x80, v6, vm2, $0xb8;
	[tilespmem:$0x109C0] =	vst v63  }
0x1ac: {  	s31 =	simm.s32 $0x10180  }
0x1ad: {  	[tilespmem:s31], [sflag:$0x1] =	stream.indirect_vreg.gather [hbm4b:s1+s3], $0x80, v5, vm2, $0xb8;
	[tilespmem:$0x109C0] =	vst v63  }
0x1ae: {  	_ =	swait.ge [sflag:s0], $0x8000  }
0x1af: {  	[sflag:s0] =	ssyncset.done $0x0  }
0x1b0: {  	[sflag:s0] =	ssyncadd.s32 $0xFFFF8000  }
0x1b1: {  	[hbm4b:s16+s3] =	stream.linear.scatter [tilespmem:s5], [sflag:$0x3], $0x8000, $0x38;
	[tilespmem:$0x109C0] =	vst v63  }
0x1b2: {  	s2 =	sadd.s32 $0x1, s2;
	_ =	swait.ge [sflag:s19], $0x8000  }
0x1b3: {  	p1 =	sne.s32 s2, s18;
	[sflag:s19] =	ssyncset.done $0x0  }
0x1b4: {  	s6 =	simm.s32 @!p0 $0x8300;
	s5 =	simm.s32 @!p0 $0x0;
	[sflag:s19] =	ssyncadd.s32 $0xFFFF8000  }
0x1b5: {  	[hbm4b:s17+s5] =	stream.linear.scatter @!p0 [tilespmem:s6], [sflag:$0x3], $0x600, $0x38;
	[tilespmem:$0x109C0] =	vst v63  }
.Ltmp4:
0x1b6: {  	_ = 	snop;
	(pc) =	sbr.rel @p1 .LBB2_1-.Ltmp4, $4  }
0x1b7: {  	s5 =	simm.s32 @!p0 $0x3  }
0x1b8: {  	_ =	swait.ge @!p0 [sflag:s5], $0x600  }
0x1b9: {  	[sflag:s5] =	ssyncset.done @!p0 $0x0  }
0x1ba: {  	[sflag:s5] =	ssyncadd.s32 @!p0 $0xFFFFFA00  }
0x1bb: {  	_ =	sfence.sel $0x180000  }
0x1bc: {  	[bflag:$0x0] =	sbarrier.arrive $0xFFFF  }
0x1bd: {  	_ =	strace $0x90000047  }
0x1be: {  	s0 =	stileid.u32;
	[bflag:$0x2] =	sbarrier.arrive $0xFFFF  }
0x1bf: {  	p0 =	sne.s32 s0, $0x0;
	s0 =	rddreg [dreg:$0x5]  }
0x1c0: {  	s0 =	sadd.s32 @!p0 $0x100000, s0  }
0x1c1: {  	[sflag:s0] =	ssyncadd.tile.s32 @!p0 $0x1;
	_ =	shalt  }
.Lfunc_end2:
_tile_overlayer_lowered:
.L_overlay_start_2:
0x1c2: {  	(tag) =	ssettag $0x2  }
0x1c3: {  	s0 =	rddreg [dreg:$0x0];
	s2 =	stileid.u32  }
0x1c4: {  	s1 =	rddreg [dreg:$0x1];
	p0 =	sne.s32 s2, $0x0  }
0x1c5: {  	s3 =	rddreg [dreg:$0x2];
	[bflag:$0x3] =	sbarrier.arrive $0xFFFF;
	s2 =	simm.s32 @!p0 $0x1C03  }
0x1c6: {  	[timem:s3], [sflag:s2] =	dma.local @!p0 [hbm:s0], s1  }
0x1c7: {  	s0 =	simm.s32 @!p0 $0x3  }
0x1c8: {  	_ =	swait.ge @!p0 [sflag:s0], s1  }
0x1c9: {  	s1 =	ssub.s32 @!p0 $0x0, s1;
	[sflag:s0] =	ssyncset.done @!p0 $0x0  }
0x1ca: {  	[sflag:s0] =	ssyncadd.s32 @!p0 s1  }
0x1cb: {  	[bflag:$0x3] =	sbarrier.arrive $0xFFFF  }
0x1cc: {  	_ =	shalt  }

</sc_bundles>
